<compile_context>
chip_gen: v7x
topology: tpu7x:2x2x1
jax: 0.10.2.dev20260603
libtpu: 0.0.44.dev20260713+nightly
codegen_flags: <defaults>
</compile_context>

<pallas_src>
import functools

import jax
import jax.numpy as jnp
from jax import lax
from jax.experimental import pallas as pl
from jax.experimental.pallas import tpu as pltpu
from jax.experimental.pallas import tpu_sc as plsc

_N = 100000
_E = 1600000
_F = 128
_R = _E // 128
_NW = 32
_NPAD = 100096
_CHUNK = _NPAD // 16

_LROWS = 392
_HROWS = _LROWS // 2


def _zero_val_row(val_v, r):
    z16f = jnp.zeros((16,), jnp.float32)
    for i in range(8):
        val_v[pl.ds(r * 128 + i * 16, 16)] = z16f


def _sc_segment_body(ei_hbm, he_hbm, out_hbm, ei_v, val_v, zbuf, acc,
                     sem_ld, sem_sc):
    c = lax.axis_index("c")
    s = lax.axis_index("s")
    w = s * 2 + c

    base = (w * _R) // _NW
    cnt = ((w + 1) * _R) // _NW - base
    load_base = jnp.minimum(base, _R - _LROWS)
    off = base - load_base

    ld_val = pltpu.async_copy(
        he_hbm.at[pl.ds(load_base * 128, _LROWS * 128)], val_v, sem_ld)
    ld_ei = pltpu.async_copy(ei_hbm.at[pl.ds(load_base, _HROWS)], ei_v,
                             sem_ld)

    z16f = jnp.zeros((16,), jnp.float32)

    def zero_body(i, carry):
        zbuf[pl.ds(i * 16, 16)] = z16f
        return carry

    lax.fori_loop(0, _CHUNK // 16, zero_body, 0)
    pltpu.sync_copy(zbuf, acc.at[pl.ds(s * _CHUNK, _CHUNK)])

    ld_val.wait()
    ld_ei.wait()

    @pl.when(off == 1)
    def _():
        _zero_val_row(val_v, 0)

    @pl.when(off + cnt <= _LROWS - 1)
    def _():
        _zero_val_row(val_v, _LROWS - 1)

    @pl.when(off + cnt <= _LROWS - 2)
    def _():
        _zero_val_row(val_v, _LROWS - 2)

    plsc.subcore_barrier()

    _G = 7
    _NG = _HROWS // _G

    def _fire(g, _h):
        for i in range(_G):
            pltpu.async_copy(
                val_v.at[pl.ds((_h * _HROWS + g * _G + i) * 128, 128)],
                acc.at[ei_v.at[g * _G + i, 1]], sem_sc, add=True)

    def _drain_group():
        for _ in range(_G):
            pltpu.make_async_copy(he_hbm.at[pl.ds(0, 128)],
                                  val_v.at[pl.ds(0, 128)], sem_sc).wait()

    for h in range(2):
        if h == 1:
            pltpu.sync_copy(ei_hbm.at[pl.ds(load_base + _HROWS, _HROWS)],
                            ei_v)
        _fire(0, h)

        def group_body(g, carry, _h=h):
            _fire(g, _h)
            _drain_group()
            return carry

        lax.fori_loop(1, _NG, group_body, 0)
        _drain_group()
    plsc.subcore_barrier()

    pltpu.sync_copy(acc.at[pl.ds(s * _CHUNK, _CHUNK)], zbuf)
    pltpu.sync_copy(zbuf, out_hbm.at[c].at[pl.ds(s * _CHUNK, _CHUNK)])


@functools.cache
def _make_sc_segment():
    return pl.kernel(
        _sc_segment_body,
        out_type=jax.ShapeDtypeStruct((2, _NPAD), jnp.float32),
        mesh=plsc.VectorSubcoreMesh(core_axis_name="c", subcore_axis_name="s"),
        compiler_params=pltpu.CompilerParams(use_tc_tiling_on_sc=False),
        scratch_types=[
            pltpu.VMEM((_HROWS, 2, 128), jnp.int32),
            pltpu.VMEM((_LROWS * 128,), jnp.float32),
            pltpu.VMEM((_CHUNK,), jnp.float32),
            pltpu.VMEM_SHARED((_NPAD,), jnp.float32),
            pltpu.SemaphoreType.DMA,
            pltpu.SemaphoreType.DMA,
        ],
    )


_BN = 8192


def _mlp_a_body(hn_ref, w1a_ref, b1_ref, z_ref):
    z_ref[...] = (
        jnp.dot(hn_ref[...], w1a_ref[...], preferred_element_type=jnp.float32)
        + b1_ref[...]
    ).astype(jnp.bfloat16)


def _mlp_a(hn, w1a, b1):
    grid = (pl.cdiv(_N, _BN),)
    return pl.pallas_call(
        _mlp_a_body,
        grid=grid,
        in_specs=[
            pl.BlockSpec((_BN, _F), lambda i: (i, 0)),
            pl.BlockSpec((_F, _F), lambda i: (0, 0)),
            pl.BlockSpec((1, _F), lambda i: (0, 0)),
        ],
        out_specs=pl.BlockSpec((_BN, _F), lambda i: (i, 0)),
        out_shape=jax.ShapeDtypeStruct((_N, _F), jnp.bfloat16),
    )(hn, w1a, b1)


def _mlp_b_body(p_ref, z_ref, w1b_ref, w2_ref, b2_ref, w3t_ref, b3t_ref,
                out_ref):
    psum = p_ref[0:1, :] + p_ref[1:2, :]
    agg = psum.reshape(_BN, 1)
    h = jnp.maximum(z_ref[...].astype(jnp.float32) + agg * w1b_ref[...], 0.0)
    h = jnp.dot(h, w2_ref[...], preferred_element_type=jnp.float32)
    h = jnp.maximum(h + b2_ref[...], 0.0)
    out_ref[...] = lax.dot_general(
        w3t_ref[...], h, (((1,), (1,)), ((), ())),
        preferred_element_type=jnp.float32,
    ) + b3t_ref[...]


def _mlp_b(partials, z, w1b, w2, b2, w3t, b3t):
    n_out = w3t.shape[0]
    grid = (pl.cdiv(_N, _BN),)
    return pl.pallas_call(
        _mlp_b_body,
        grid=grid,
        in_specs=[
            pl.BlockSpec((2, _BN), lambda i: (0, i)),
            pl.BlockSpec((_BN, _F), lambda i: (i, 0)),
            pl.BlockSpec((1, _F), lambda i: (0, 0)),
            pl.BlockSpec((_F, _F), lambda i: (0, 0)),
            pl.BlockSpec((1, _F), lambda i: (0, 0)),
            pl.BlockSpec((n_out, _F), lambda i: (0, 0)),
            pl.BlockSpec((n_out, 1), lambda i: (0, 0)),
        ],
        out_specs=pl.BlockSpec((n_out, _BN), lambda i: (0, i)),
        out_shape=jax.ShapeDtypeStruct((n_out, _N), jnp.float32),
    )(partials, z, w1b, w2, b2, w3t, b3t)


def kernel(hn, he, edge_index, W1, b1, W2, b2, W3, b3):
    ei3 = edge_index.astype(jnp.int32).reshape(2, _R, 128).transpose(1, 0, 2)
    he1 = he.reshape(_E)
    partials = _make_sc_segment()(ei3, he1)

    z = _mlp_a(hn, W1[:_F], b1.reshape(1, _F))
    out3 = _mlp_b(partials, z, W1[_F:_F + 1], W2, b2.reshape(1, _F),
                  W3.T, b3.reshape(-1, 1))
    return out3.T

# --- scband reference (transcript-rebuilt; emitter-appended) ---
"""Pipeline reference for scband-regression-branch-xe-only-76192719831674 (READ-ONLY COPY).

The authoritative reference and input builder live on the scoring server;
editing this copy changes nothing except your own understanding.
"""

import jax, jax.numpy as jnp
import numpy as np


def setup_inputs(seed: int = 0) -> dict:
    key = jax.random.key(seed)
    ks = jax.random.split(key, 9)
    N = 100000
    E = 1600000
    in_feat = 128
    out_feat = 3
    hn = jax.random.normal(ks[0], (N, in_feat), dtype=jnp.float32)
    he = jax.random.normal(ks[1], (E, 1), dtype=jnp.float32)
    edge_index = jax.random.randint(ks[2], (2, E), 0, N, dtype=jnp.int64)
    W1 = jax.random.normal(ks[3], (in_feat + 1, in_feat), dtype=jnp.float32) * 0.05
    b1 = jax.random.normal(ks[4], (in_feat,), dtype=jnp.float32) * 0.05
    W2 = jax.random.normal(ks[5], (in_feat, in_feat), dtype=jnp.float32) * 0.05
    b2 = jax.random.normal(ks[6], (in_feat,), dtype=jnp.float32) * 0.05
    W3 = jax.random.normal(ks[7], (in_feat, out_feat), dtype=jnp.float32) * 0.05
    b3 = jax.random.normal(ks[8], (out_feat,), dtype=jnp.float32) * 0.05
    return {"hn": hn, "he": he, "edge_index": edge_index, "W1": W1, "b1": b1, "W2": W2, "b2": b2, "W3": W3, "b3": b3}


def reference(hn, he, edge_index, W1, b1, W2, b2, W3, b3):
    N = hn.shape[0]
    dst = edge_index[1]
    # DGL update_all(copy_e, sum): sum edge features into destination nodes
    he_aggr = jax.ops.segment_sum(he, dst, num_segments=N)
    h_total = jnp.concatenate([hn, he_aggr], axis=1)
    h = jnp.maximum(h_total @ W1 + b1, 0.0)
    h = jnp.maximum(h @ W2 + b2, 0.0)
    h = h @ W3 + b3
    return h

if __name__ == "__main__":
    import jax
    _d = setup_inputs()
    print(jax.jit(kernel)(*tuple(_d.values())))

</pallas_src>

<mosaic_0001>
#map = affine_map<(d0, d1) -> (0, 0, 0)>
#map1 = affine_map<(d0, d1) -> (0)>
#map2 = affine_map<(d0, d1) -> (0, 0)>
module attributes {stable_mosaic.version = 14 : i64} {
  func.func @_sc_segment_body(%arg0: i32, %arg1: i32, %arg2: memref<12500x2x128xi32, #tpu.memory_space<hbm>>, %arg3: memref<1600000xf32, #tpu.memory_space<hbm>>, %arg4: memref<2x100096xf32, #tpu.memory_space<hbm>>, %arg5: memref<196x2x128xi32, #tpu.memory_space<vmem>>, %arg6: memref<50176xf32, #tpu.memory_space<vmem>>, %arg7: memref<6256xf32, #tpu.memory_space<vmem>>, %arg8: memref<100096xf32, #tpu.memory_space<vmem_shared>>, %arg9: memref<!tpu.dma_semaphore, #tpu.memory_space<semaphore_mem>>, %arg10: memref<!tpu.dma_semaphore, #tpu.memory_space<semaphore_mem>>) attributes {dimension_semantics = [#tpu.dimension_semantics<core_parallel>, #tpu.dimension_semantics<subcore_parallel>], iteration_bounds = array<i64: 2, 16>, scalar_prefetch = 0 : i64, scratch_operands = 6 : i64, tpu.core_type = #tpu.core_type<sc_vector_subcore>, window_params = [{transform_indices = #map}, {transform_indices = #map1}, {transform_indices = #map2}]} {
    %mul3A = arith.constant 2 : i32
    %mul3A_0 = arith.muli %arg1, %mul3A : i32
    %add3A = arith.addi %mul3A_0, %arg0 : i32
    %mul3A_1 = arith.constant 12500 : i32
    %mul3A_2 = arith.muli %add3A, %mul3A_1 : i32
    %jit3A = arith.constant 32 : i32
    %div3A = arith.divsi %mul3A_2, %jit3A : i32
    %sign3A = arith.constant 0 : i32
    %sign3A_3 = arith.cmpi sgt, %mul3A_2, %sign3A : i32
    %sign3A_4 = arith.extui %sign3A_3 : i1 to i32
    %sign3A_5 = arith.constant 0 : i32
    %sign3A_6 = arith.cmpi slt, %mul3A_2, %sign3A_5 : i32
    %sign3A_7 = arith.extui %sign3A_6 : i1 to i32
    %sign3A_8 = arith.subi %sign3A_4, %sign3A_7 : i32
    %sign3A_9 = arith.constant 0 : i32
    %sign3A_10 = arith.cmpi sgt, %jit3A, %sign3A_9 : i32
    %sign3A_11 = arith.extui %sign3A_10 : i1 to i32
    %sign3A_12 = arith.constant 0 : i32
    %sign3A_13 = arith.cmpi slt, %jit3A, %sign3A_12 : i32
    %sign3A_14 = arith.extui %sign3A_13 : i1 to i32
    %sign3A_15 = arith.subi %sign3A_11, %sign3A_14 : i32
    %ne3A = arith.cmpi ne, %sign3A_8, %sign3A_15 : i32
    %rem3A = arith.remsi %mul3A_2, %jit3A : i32
    %ne3A_16 = arith.constant 0 : i32
    %ne3A_17 = arith.cmpi ne, %rem3A, %ne3A_16 : i32
    %and3A = arith.andi %ne3A, %ne3A_17 : i1
    %sub3A = arith.constant 1 : i32
    %sub3A_18 = arith.subi %div3A, %sub3A : i32
    %select_n3A = arith.select %and3A, %sub3A_18, %div3A : i32
    %add3A_19 = arith.constant 1 : i32
    %add3A_20 = arith.addi %add3A, %add3A_19 : i32
    %mul3A_21 = arith.constant 12500 : i32
    %mul3A_22 = arith.muli %add3A_20, %mul3A_21 : i32
    %jit3A_23 = arith.constant 32 : i32
    %div3A_24 = arith.divsi %mul3A_22, %jit3A_23 : i32
    %sign3A_25 = arith.constant 0 : i32
    %sign3A_26 = arith.cmpi sgt, %mul3A_22, %sign3A_25 : i32
    %sign3A_27 = arith.extui %sign3A_26 : i1 to i32
    %sign3A_28 = arith.constant 0 : i32
    %sign3A_29 = arith.cmpi slt, %mul3A_22, %sign3A_28 : i32
    %sign3A_30 = arith.extui %sign3A_29 : i1 to i32
    %sign3A_31 = arith.subi %sign3A_27, %sign3A_30 : i32
    %sign3A_32 = arith.constant 0 : i32
    %sign3A_33 = arith.cmpi sgt, %jit3A_23, %sign3A_32 : i32
    %sign3A_34 = arith.extui %sign3A_33 : i1 to i32
    %sign3A_35 = arith.constant 0 : i32
    %sign3A_36 = arith.cmpi slt, %jit3A_23, %sign3A_35 : i32
    %sign3A_37 = arith.extui %sign3A_36 : i1 to i32
    %sign3A_38 = arith.subi %sign3A_34, %sign3A_37 : i32
    %ne3A_39 = arith.cmpi ne, %sign3A_31, %sign3A_38 : i32
    %rem3A_40 = arith.remsi %mul3A_22, %jit3A_23 : i32
    %ne3A_41 = arith.constant 0 : i32
    %ne3A_42 = arith.cmpi ne, %rem3A_40, %ne3A_41 : i32
    %and3A_43 = arith.andi %ne3A_39, %ne3A_42 : i1
    %sub3A_44 = arith.constant 1 : i32
    %sub3A_45 = arith.subi %div3A_24, %sub3A_44 : i32
    %select_n3A_46 = arith.select %and3A_43, %sub3A_45, %div3A_24 : i32
    %sub3A_47 = arith.subi %select_n3A_46, %select_n3A : i32
    %min3A = arith.constant 12108 : i32
    %min3A_48 = arith.minsi %select_n3A, %min3A : i32
    %sub3A_49 = arith.subi %select_n3A, %min3A_48 : i32
    %mul3A_50 = arith.constant 128 : i32
    %mul3A_51 = arith.muli %min3A_48, %mul3A_50 : i32
    %dma_start3A = tpu.memref_slice %arg3[%mul3A_51] : memref<1600000xf32, #tpu.memory_space<hbm>> -> memref<50176xf32, #tpu.memory_space<hbm>>
    %dma_start3A_52 = tpu.memref_slice %arg3[%mul3A_51] : memref<1600000xf32, #tpu.memory_space<hbm>> -> memref<50176xf32, #tpu.memory_space<hbm>>
    tpu.enqueue_dma source(%dma_start3A_52 : memref<50176xf32, #tpu.memory_space<hbm>>) target(%arg6 : memref<50176xf32, #tpu.memory_space<vmem>>) target_semaphore(%arg9 : memref<!tpu.dma_semaphore, #tpu.memory_space<semaphore_mem>>)
    %dma_start3A_53 = arith.constant 0 : i32
    %dma_start3A_54 = arith.constant 0 : i32
    %dma_start3A_55 = tpu.memref_slice %arg2[%min3A_48, %dma_start3A_53, %dma_start3A_54] : memref<12500x2x128xi32, #tpu.memory_space<hbm>> -> memref<196x2x128xi32, #tpu.memory_space<hbm>>
    %dma_start3A_56 = arith.constant 0 : i32
    %dma_start3A_57 = arith.constant 0 : i32
    %dma_start3A_58 = tpu.memref_slice %arg2[%min3A_48, %dma_start3A_56, %dma_start3A_57] : memref<12500x2x128xi32, #tpu.memory_space<hbm>> -> memref<196x2x128xi32, #tpu.memory_space<hbm>>
    tpu.enqueue_dma source(%dma_start3A_58 : memref<196x2x128xi32, #tpu.memory_space<hbm>>) target(%arg5 : memref<196x2x128xi32, #tpu.memory_space<vmem>>) target_semaphore(%arg9 : memref<!tpu.dma_semaphore, #tpu.memory_space<semaphore_mem>>)
    %broadcast_in_dim3A = arith.constant 0.000000e+00 : f32
    %broadcast_in_dim3A_59 = vector.broadcast %broadcast_in_dim3A : f32 to vector<16xf32>
    %scan3A = arith.constant 0 : i32
    %scan3A_60 = arith.constant 0 : i32
    %scan3A_61 = arith.constant 391 : i32
    %scan3A_62 = arith.addi %scan3A_60, %scan3A_61 : i32
    %scan3A_63 = arith.constant 1 : i32
    scf.for %scan3A_344 = %scan3A_60 to %scan3A_62 step %scan3A_63  : i32 {
      %mul3A_345 = arith.constant 16 : i32
      %mul3A_346 = arith.muli %scan3A_344, %mul3A_345 : i32
      %swap3A = arith.index_cast %mul3A_346 : i32 to index
      %swap3A_347 = tpu.vector_load %arg7[%swap3A] {strides = array<i32>} : memref<6256xf32, #tpu.memory_space<vmem>>, vector<16xf32>,
      %swap3A_348 = vector.shape_cast %swap3A_347 : vector<16xf32> to vector<16xf32>
      %swap3A_349 = vector.shape_cast %broadcast_in_dim3A_59 : vector<16xf32> to vector<16xf32>
      tpu.vector_store %arg7[%swap3A], %swap3A_349 {strides = array<i32>} : memref<6256xf32, #tpu.memory_space<vmem>>, vector<16xf32>,
    }
    %scan3A_64 = arith.constant 391 : i32
    %mul3A_65 = arith.constant 6256 : i32
    %mul3A_66 = arith.muli %arg1, %mul3A_65 : i32
    "tpu.region"() ({
      %run_scoped3A = tpu.sem_alloc : memref<!tpu.dma_semaphore, #tpu.memory_space<semaphore_mem>>
      %dma_start3A_344 = tpu.memref_slice %arg8[%mul3A_66] : memref<100096xf32, #tpu.memory_space<vmem_shared>> -> memref<6256xf32, #tpu.memory_space<vmem_shared>>
      %dma_start3A_345 = tpu.memref_slice %arg8[%mul3A_66] : memref<100096xf32, #tpu.memory_space<vmem_shared>> -> memref<6256xf32, #tpu.memory_space<vmem_shared>>
      tpu.enqueue_dma source(%arg7 : memref<6256xf32, #tpu.memory_space<vmem>>) target(%dma_start3A_345 : memref<6256xf32, #tpu.memory_space<vmem_shared>>) target_semaphore(%run_scoped3A : memref<!tpu.dma_semaphore, #tpu.memory_space<semaphore_mem>>)
      %dma_wait3A_346 = tpu.memref_slice %arg8[%mul3A_66] : memref<100096xf32, #tpu.memory_space<vmem_shared>> -> memref<6256xf32, #tpu.memory_space<vmem_shared>>
      %dma_wait3A_347 = tpu.memref_slice %arg8[%mul3A_66] : memref<100096xf32, #tpu.memory_space<vmem_shared>> -> memref<6256xf32, #tpu.memory_space<vmem_shared>>
      tpu.wait_dma2 semaphore(%run_scoped3A : memref<!tpu.dma_semaphore, #tpu.memory_space<semaphore_mem>>) src(%arg7 : memref<6256xf32, #tpu.memory_space<vmem>>) dst(%dma_wait3A_347 : memref<6256xf32, #tpu.memory_space<vmem_shared>>)
      tpu.yield
    }) : () -> ()
    %dma_wait3A = tpu.memref_slice %arg3[%mul3A_51] : memref<1600000xf32, #tpu.memory_space<hbm>> -> memref<50176xf32, #tpu.memory_space<hbm>>
    %dma_wait3A_67 = tpu.memref_slice %arg3[%mul3A_51] : memref<1600000xf32, #tpu.memory_space<hbm>> -> memref<50176xf32, #tpu.memory_space<hbm>>
    tpu.wait_dma2 semaphore(%arg9 : memref<!tpu.dma_semaphore, #tpu.memory_space<semaphore_mem>>) src(%dma_wait3A_67 : memref<50176xf32, #tpu.memory_space<hbm>>) dst(%arg6 : memref<50176xf32, #tpu.memory_space<vmem>>)
    %dma_wait3A_68 = arith.constant 0 : i32
    %dma_wait3A_69 = arith.constant 0 : i32
    %dma_wait3A_70 = tpu.memref_slice %arg2[%min3A_48, %dma_wait3A_68, %dma_wait3A_69] : memref<12500x2x128xi32, #tpu.memory_space<hbm>> -> memref<196x2x128xi32, #tpu.memory_space<hbm>>
    %dma_wait3A_71 = arith.constant 0 : i32
    %dma_wait3A_72 = arith.constant 0 : i32
    %dma_wait3A_73 = tpu.memref_slice %arg2[%min3A_48, %dma_wait3A_71, %dma_wait3A_72] : memref<12500x2x128xi32, #tpu.memory_space<hbm>> -> memref<196x2x128xi32, #tpu.memory_space<hbm>>
    tpu.wait_dma2 semaphore(%arg9 : memref<!tpu.dma_semaphore, #tpu.memory_space<semaphore_mem>>) src(%dma_wait3A_73 : memref<196x2x128xi32, #tpu.memory_space<hbm>>) dst(%arg5 : memref<196x2x128xi32, #tpu.memory_space<vmem>>)
    %eq3A = arith.constant 1 : i32
    %eq3A_74 = arith.cmpi eq, %sub3A_49, %eq3A : i32
    %convert_element_type3A = arith.extui %eq3A_74 : i1 to i32
    %cond3A = arith.constant 0 : i32
    %cond3A_75 = arith.cmpi ne, %convert_element_type3A, %cond3A : i32
    scf.if %cond3A_75 {
      %broadcast_in_dim3A_344 = arith.constant 0.000000e+00 : f32
      %broadcast_in_dim3A_345 = vector.broadcast %broadcast_in_dim3A_344 : f32 to vector<16xf32>
      %swap3A = arith.constant 0 : index
      %swap3A_346 = tpu.vector_load %arg6[%swap3A] {strides = array<i32>} : memref<50176xf32, #tpu.memory_space<vmem>>, vector<16xf32>,
      %swap3A_347 = vector.shape_cast %swap3A_346 : vector<16xf32> to vector<16xf32>
      %swap3A_348 = vector.shape_cast %broadcast_in_dim3A_345 : vector<16xf32> to vector<16xf32>
      tpu.vector_store %arg6[%swap3A], %swap3A_348 {strides = array<i32>} : memref<50176xf32, #tpu.memory_space<vmem>>, vector<16xf32>,
      %swap3A_349 = arith.constant 16 : index
      %swap3A_350 = tpu.vector_load %arg6[%swap3A_349] {strides = array<i32>} : memref<50176xf32, #tpu.memory_space<vmem>>, vector<16xf32>,
      %swap3A_351 = vector.shape_cast %swap3A_350 : vector<16xf32> to vector<16xf32>
      %swap3A_352 = vector.shape_cast %broadcast_in_dim3A_345 : vector<16xf32> to vector<16xf32>
      tpu.vector_store %arg6[%swap3A_349], %swap3A_352 {strides = array<i32>} : memref<50176xf32, #tpu.memory_space<vmem>>, vector<16xf32>,
      %swap3A_353 = arith.constant 32 : index
      %swap3A_354 = tpu.vector_load %arg6[%swap3A_353] {strides = array<i32>} : memref<50176xf32, #tpu.memory_space<vmem>>, vector<16xf32>,
      %swap3A_355 = vector.shape_cast %swap3A_354 : vector<16xf32> to vector<16xf32>
      %swap3A_356 = vector.shape_cast %broadcast_in_dim3A_345 : vector<16xf32> to vector<16xf32>
      tpu.vector_store %arg6[%swap3A_353], %swap3A_356 {strides = array<i32>} : memref<50176xf32, #tpu.memory_space<vmem>>, vector<16xf32>,
      %swap3A_357 = arith.constant 48 : index
      %swap3A_358 = tpu.vector_load %arg6[%swap3A_357] {strides = array<i32>} : memref<50176xf32, #tpu.memory_space<vmem>>, vector<16xf32>,
      %swap3A_359 = vector.shape_cast %swap3A_358 : vector<16xf32> to vector<16xf32>
      %swap3A_360 = vector.shape_cast %broadcast_in_dim3A_345 : vector<16xf32> to vector<16xf32>
      tpu.vector_store %arg6[%swap3A_357], %swap3A_360 {strides = array<i32>} : memref<50176xf32, #tpu.memory_space<vmem>>, vector<16xf32>,
      %swap3A_361 = arith.constant 64 : index
      %swap3A_362 = tpu.vector_load %arg6[%swap3A_361] {strides = array<i32>} : memref<50176xf32, #tpu.memory_space<vmem>>, vector<16xf32>,
      %swap3A_363 = vector.shape_cast %swap3A_362 : vector<16xf32> to vector<16xf32>
      %swap3A_364 = vector.shape_cast %broadcast_in_dim3A_345 : vector<16xf32> to vector<16xf32>
      tpu.vector_store %arg6[%swap3A_361], %swap3A_364 {strides = array<i32>} : memref<50176xf32, #tpu.memory_space<vmem>>, vector<16xf32>,
      %swap3A_365 = arith.constant 80 : index
      %swap3A_366 = tpu.vector_load %arg6[%swap3A_365] {strides = array<i32>} : memref<50176xf32, #tpu.memory_space<vmem>>, vector<16xf32>,
      %swap3A_367 = vector.shape_cast %swap3A_366 : vector<16xf32> to vector<16xf32>
      %swap3A_368 = vector.shape_cast %broadcast_in_dim3A_345 : vector<16xf32> to vector<16xf32>
      tpu.vector_store %arg6[%swap3A_365], %swap3A_368 {strides = array<i32>} : memref<50176xf32, #tpu.memory_space<vmem>>, vector<16xf32>,
      %swap3A_369 = arith.constant 96 : index
      %swap3A_370 = tpu.vector_load %arg6[%swap3A_369] {strides = array<i32>} : memref<50176xf32, #tpu.memory_space<vmem>>, vector<16xf32>,
      %swap3A_371 = vector.shape_cast %swap3A_370 : vector<16xf32> to vector<16xf32>
      %swap3A_372 = vector.shape_cast %broadcast_in_dim3A_345 : vector<16xf32> to vector<16xf32>
      tpu.vector_store %arg6[%swap3A_369], %swap3A_372 {strides = array<i32>} : memref<50176xf32, #tpu.memory_space<vmem>>, vector<16xf32>,
      %swap3A_373 = arith.constant 112 : index
      %swap3A_374 = tpu.vector_load %arg6[%swap3A_373] {strides = array<i32>} : memref<50176xf32, #tpu.memory_space<vmem>>, vector<16xf32>,
      %swap3A_375 = vector.shape_cast %swap3A_374 : vector<16xf32> to vector<16xf32>
      %swap3A_376 = vector.shape_cast %broadcast_in_dim3A_345 : vector<16xf32> to vector<16xf32>
      tpu.vector_store %arg6[%swap3A_373], %swap3A_376 {strides = array<i32>} : memref<50176xf32, #tpu.memory_space<vmem>>, vector<16xf32>,
    } else {
    }
    %add3A_76 = arith.addi %sub3A_49, %sub3A_47 : i32
    %le3A = arith.constant 391 : i32
    %le3A_77 = arith.cmpi sle, %add3A_76, %le3A : i32
    %convert_element_type3A_78 = arith.extui %le3A_77 : i1 to i32
    %cond3A_79 = arith.constant 0 : i32
    %cond3A_80 = arith.cmpi ne, %convert_element_type3A_78, %cond3A_79 : i32
    scf.if %cond3A_80 {
      %broadcast_in_dim3A_344 = arith.constant 0.000000e+00 : f32
      %broadcast_in_dim3A_345 = vector.broadcast %broadcast_in_dim3A_344 : f32 to vector<16xf32>
      %swap3A = arith.constant 50048 : index
      %swap3A_346 = tpu.vector_load %arg6[%swap3A] {strides = array<i32>} : memref<50176xf32, #tpu.memory_space<vmem>>, vector<16xf32>,
      %swap3A_347 = vector.shape_cast %swap3A_346 : vector<16xf32> to vector<16xf32>
      %swap3A_348 = vector.shape_cast %broadcast_in_dim3A_345 : vector<16xf32> to vector<16xf32>
      tpu.vector_store %arg6[%swap3A], %swap3A_348 {strides = array<i32>} : memref<50176xf32, #tpu.memory_space<vmem>>, vector<16xf32>,
      %swap3A_349 = arith.constant 50064 : index
      %swap3A_350 = tpu.vector_load %arg6[%swap3A_349] {strides = array<i32>} : memref<50176xf32, #tpu.memory_space<vmem>>, vector<16xf32>,
      %swap3A_351 = vector.shape_cast %swap3A_350 : vector<16xf32> to vector<16xf32>
      %swap3A_352 = vector.shape_cast %broadcast_in_dim3A_345 : vector<16xf32> to vector<16xf32>
      tpu.vector_store %arg6[%swap3A_349], %swap3A_352 {strides = array<i32>} : memref<50176xf32, #tpu.memory_space<vmem>>, vector<16xf32>,
      %swap3A_353 = arith.constant 50080 : index
      %swap3A_354 = tpu.vector_load %arg6[%swap3A_353] {strides = array<i32>} : memref<50176xf32, #tpu.memory_space<vmem>>, vector<16xf32>,
      %swap3A_355 = vector.shape_cast %swap3A_354 : vector<16xf32> to vector<16xf32>
      %swap3A_356 = vector.shape_cast %broadcast_in_dim3A_345 : vector<16xf32> to vector<16xf32>
      tpu.vector_store %arg6[%swap3A_353], %swap3A_356 {strides = array<i32>} : memref<50176xf32, #tpu.memory_space<vmem>>, vector<16xf32>,
      %swap3A_357 = arith.constant 50096 : index
      %swap3A_358 = tpu.vector_load %arg6[%swap3A_357] {strides = array<i32>} : memref<50176xf32, #tpu.memory_space<vmem>>, vector<16xf32>,
      %swap3A_359 = vector.shape_cast %swap3A_358 : vector<16xf32> to vector<16xf32>
      %swap3A_360 = vector.shape_cast %broadcast_in_dim3A_345 : vector<16xf32> to vector<16xf32>
      tpu.vector_store %arg6[%swap3A_357], %swap3A_360 {strides = array<i32>} : memref<50176xf32, #tpu.memory_space<vmem>>, vector<16xf32>,
      %swap3A_361 = arith.constant 50112 : index
      %swap3A_362 = tpu.vector_load %arg6[%swap3A_361] {strides = array<i32>} : memref<50176xf32, #tpu.memory_space<vmem>>, vector<16xf32>,
      %swap3A_363 = vector.shape_cast %swap3A_362 : vector<16xf32> to vector<16xf32>
      %swap3A_364 = vector.shape_cast %broadcast_in_dim3A_345 : vector<16xf32> to vector<16xf32>
      tpu.vector_store %arg6[%swap3A_361], %swap3A_364 {strides = array<i32>} : memref<50176xf32, #tpu.memory_space<vmem>>, vector<16xf32>,
      %swap3A_365 = arith.constant 50128 : index
      %swap3A_366 = tpu.vector_load %arg6[%swap3A_365] {strides = array<i32>} : memref<50176xf32, #tpu.memory_space<vmem>>, vector<16xf32>,
      %swap3A_367 = vector.shape_cast %swap3A_366 : vector<16xf32> to vector<16xf32>
      %swap3A_368 = vector.shape_cast %broadcast_in_dim3A_345 : vector<16xf32> to vector<16xf32>
      tpu.vector_store %arg6[%swap3A_365], %swap3A_368 {strides = array<i32>} : memref<50176xf32, #tpu.memory_space<vmem>>, vector<16xf32>,
      %swap3A_369 = arith.constant 50144 : index
      %swap3A_370 = tpu.vector_load %arg6[%swap3A_369] {strides = array<i32>} : memref<50176xf32, #tpu.memory_space<vmem>>, vector<16xf32>,
      %swap3A_371 = vector.shape_cast %swap3A_370 : vector<16xf32> to vector<16xf32>
      %swap3A_372 = vector.shape_cast %broadcast_in_dim3A_345 : vector<16xf32> to vector<16xf32>
      tpu.vector_store %arg6[%swap3A_369], %swap3A_372 {strides = array<i32>} : memref<50176xf32, #tpu.memory_space<vmem>>, vector<16xf32>,
      %swap3A_373 = arith.constant 50160 : index
      %swap3A_374 = tpu.vector_load %arg6[%swap3A_373] {strides = array<i32>} : memref<50176xf32, #tpu.memory_space<vmem>>, vector<16xf32>,
      %swap3A_375 = vector.shape_cast %swap3A_374 : vector<16xf32> to vector<16xf32>
      %swap3A_376 = vector.shape_cast %broadcast_in_dim3A_345 : vector<16xf32> to vector<16xf32>
      tpu.vector_store %arg6[%swap3A_373], %swap3A_376 {strides = array<i32>} : memref<50176xf32, #tpu.memory_space<vmem>>, vector<16xf32>,
    } else {
    }
    %add3A_81 = arith.addi %sub3A_49, %sub3A_47 : i32
    %le3A_82 = arith.constant 390 : i32
    %le3A_83 = arith.cmpi sle, %add3A_81, %le3A_82 : i32
    %convert_element_type3A_84 = arith.extui %le3A_83 : i1 to i32
    %cond3A_85 = arith.constant 0 : i32
    %cond3A_86 = arith.cmpi ne, %convert_element_type3A_84, %cond3A_85 : i32
    scf.if %cond3A_86 {
      %broadcast_in_dim3A_344 = arith.constant 0.000000e+00 : f32
      %broadcast_in_dim3A_345 = vector.broadcast %broadcast_in_dim3A_344 : f32 to vector<16xf32>
      %swap3A = arith.constant 49920 : index
      %swap3A_346 = tpu.vector_load %arg6[%swap3A] {strides = array<i32>} : memref<50176xf32, #tpu.memory_space<vmem>>, vector<16xf32>,
      %swap3A_347 = vector.shape_cast %swap3A_346 : vector<16xf32> to vector<16xf32>
      %swap3A_348 = vector.shape_cast %broadcast_in_dim3A_345 : vector<16xf32> to vector<16xf32>
      tpu.vector_store %arg6[%swap3A], %swap3A_348 {strides = array<i32>} : memref<50176xf32, #tpu.memory_space<vmem>>, vector<16xf32>,
      %swap3A_349 = arith.constant 49936 : index
      %swap3A_350 = tpu.vector_load %arg6[%swap3A_349] {strides = array<i32>} : memref<50176xf32, #tpu.memory_space<vmem>>, vector<16xf32>,
      %swap3A_351 = vector.shape_cast %swap3A_350 : vector<16xf32> to vector<16xf32>
      %swap3A_352 = vector.shape_cast %broadcast_in_dim3A_345 : vector<16xf32> to vector<16xf32>
      tpu.vector_store %arg6[%swap3A_349], %swap3A_352 {strides = array<i32>} : memref<50176xf32, #tpu.memory_space<vmem>>, vector<16xf32>,
      %swap3A_353 = arith.constant 49952 : index
      %swap3A_354 = tpu.vector_load %arg6[%swap3A_353] {strides = array<i32>} : memref<50176xf32, #tpu.memory_space<vmem>>, vector<16xf32>,
      %swap3A_355 = vector.shape_cast %swap3A_354 : vector<16xf32> to vector<16xf32>
      %swap3A_356 = vector.shape_cast %broadcast_in_dim3A_345 : vector<16xf32> to vector<16xf32>
      tpu.vector_store %arg6[%swap3A_353], %swap3A_356 {strides = array<i32>} : memref<50176xf32, #tpu.memory_space<vmem>>, vector<16xf32>,
      %swap3A_357 = arith.constant 49968 : index
      %swap3A_358 = tpu.vector_load %arg6[%swap3A_357] {strides = array<i32>} : memref<50176xf32, #tpu.memory_space<vmem>>, vector<16xf32>,
      %swap3A_359 = vector.shape_cast %swap3A_358 : vector<16xf32> to vector<16xf32>
      %swap3A_360 = vector.shape_cast %broadcast_in_dim3A_345 : vector<16xf32> to vector<16xf32>
      tpu.vector_store %arg6[%swap3A_357], %swap3A_360 {strides = array<i32>} : memref<50176xf32, #tpu.memory_space<vmem>>, vector<16xf32>,
      %swap3A_361 = arith.constant 49984 : index
      %swap3A_362 = tpu.vector_load %arg6[%swap3A_361] {strides = array<i32>} : memref<50176xf32, #tpu.memory_space<vmem>>, vector<16xf32>,
      %swap3A_363 = vector.shape_cast %swap3A_362 : vector<16xf32> to vector<16xf32>
      %swap3A_364 = vector.shape_cast %broadcast_in_dim3A_345 : vector<16xf32> to vector<16xf32>
      tpu.vector_store %arg6[%swap3A_361], %swap3A_364 {strides = array<i32>} : memref<50176xf32, #tpu.memory_space<vmem>>, vector<16xf32>,
      %swap3A_365 = arith.constant 50000 : index
      %swap3A_366 = tpu.vector_load %arg6[%swap3A_365] {strides = array<i32>} : memref<50176xf32, #tpu.memory_space<vmem>>, vector<16xf32>,
      %swap3A_367 = vector.shape_cast %swap3A_366 : vector<16xf32> to vector<16xf32>
      %swap3A_368 = vector.shape_cast %broadcast_in_dim3A_345 : vector<16xf32> to vector<16xf32>
      tpu.vector_store %arg6[%swap3A_365], %swap3A_368 {strides = array<i32>} : memref<50176xf32, #tpu.memory_space<vmem>>, vector<16xf32>,
      %swap3A_369 = arith.constant 50016 : index
      %swap3A_370 = tpu.vector_load %arg6[%swap3A_369] {strides = array<i32>} : memref<50176xf32, #tpu.memory_space<vmem>>, vector<16xf32>,
      %swap3A_371 = vector.shape_cast %swap3A_370 : vector<16xf32> to vector<16xf32>
      %swap3A_372 = vector.shape_cast %broadcast_in_dim3A_345 : vector<16xf32> to vector<16xf32>
      tpu.vector_store %arg6[%swap3A_369], %swap3A_372 {strides = array<i32>} : memref<50176xf32, #tpu.memory_space<vmem>>, vector<16xf32>,
      %swap3A_373 = arith.constant 50032 : index
      %swap3A_374 = tpu.vector_load %arg6[%swap3A_373] {strides = array<i32>} : memref<50176xf32, #tpu.memory_space<vmem>>, vector<16xf32>,
      %swap3A_375 = vector.shape_cast %swap3A_374 : vector<16xf32> to vector<16xf32>
      %swap3A_376 = vector.shape_cast %broadcast_in_dim3A_345 : vector<16xf32> to vector<16xf32>
      tpu.vector_store %arg6[%swap3A_373], %swap3A_376 {strides = array<i32>} : memref<50176xf32, #tpu.memory_space<vmem>>, vector<16xf32>,
    } else {
    }
    %barrier3A = arith.constant 0 : index
    tpu.barrier barrier_id(%barrier3A)
    %dma_start3A_87 = arith.constant 0 : i32
    %dma_start3A_88 = arith.constant 1 : i32
    %dma_start3A_89 = arith.constant 0 : i32
    %dma_start3A_90 = tpu.memref_slice %arg6[%dma_start3A_89] : memref<50176xf32, #tpu.memory_space<vmem>> -> memref<128xf32, #tpu.memory_space<vmem>>
    %dma_start3A_91 = arith.constant 0 : i32
    %dma_start3A_92 = tpu.memref_slice %arg5[%dma_start3A_87, %dma_start3A_88, %dma_start3A_91] : memref<196x2x128xi32, #tpu.memory_space<vmem>> -> memref<1x1x128xi32, #tpu.memory_space<vmem>>
    %dma_start3A_93 = tpu.memref_squeeze %dma_start3A_92 : memref<1x1x128xi32, #tpu.memory_space<vmem>> -> memref<128xi32, #tpu.memory_space<vmem>>
    %dma_start3A_94 = arith.constant 0 : i32
    %dma_start3A_95 = tpu.memref_slice %arg8[%dma_start3A_94] : memref<100096xf32, #tpu.memory_space<vmem_shared>> -> memref<100096xf32, #tpu.memory_space<vmem_shared>>
    tpu.enqueue_indirect_dma source(%dma_start3A_90 : memref<128xf32, #tpu.memory_space<vmem>>) target(%dma_start3A_95 : memref<100096xf32, #tpu.memory_space<vmem_shared>>) offsets(%dma_start3A_93 : memref<128xi32, #tpu.memory_space<vmem>>) semaphore(%arg10 : memref<!tpu.dma_semaphore, #tpu.memory_space<semaphore_mem>>) {add = true}
    %dma_start3A_96 = arith.constant 1 : i32
    %dma_start3A_97 = arith.constant 1 : i32
    %dma_start3A_98 = arith.constant 128 : i32
    %dma_start3A_99 = tpu.memref_slice %arg6[%dma_start3A_98] : memref<50176xf32, #tpu.memory_space<vmem>> -> memref<128xf32, #tpu.memory_space<vmem>>
    %dma_start3A_100 = arith.constant 0 : i32
    %dma_start3A_101 = tpu.memref_slice %arg5[%dma_start3A_96, %dma_start3A_97, %dma_start3A_100] : memref<196x2x128xi32, #tpu.memory_space<vmem>> -> memref<1x1x128xi32, #tpu.memory_space<vmem>>
    %dma_start3A_102 = tpu.memref_squeeze %dma_start3A_101 : memref<1x1x128xi32, #tpu.memory_space<vmem>> -> memref<128xi32, #tpu.memory_space<vmem>>
    %dma_start3A_103 = arith.constant 0 : i32
    %dma_start3A_104 = tpu.memref_slice %arg8[%dma_start3A_103] : memref<100096xf32, #tpu.memory_space<vmem_shared>> -> memref<100096xf32, #tpu.memory_space<vmem_shared>>
    tpu.enqueue_indirect_dma source(%dma_start3A_99 : memref<128xf32, #tpu.memory_space<vmem>>) target(%dma_start3A_104 : memref<100096xf32, #tpu.memory_space<vmem_shared>>) offsets(%dma_start3A_102 : memref<128xi32, #tpu.memory_space<vmem>>) semaphore(%arg10 : memref<!tpu.dma_semaphore, #tpu.memory_space<semaphore_mem>>) {add = true}
    %dma_start3A_105 = arith.constant 2 : i32
    %dma_start3A_106 = arith.constant 1 : i32
    %dma_start3A_107 = arith.constant 256 : i32
    %dma_start3A_108 = tpu.memref_slice %arg6[%dma_start3A_107] : memref<50176xf32, #tpu.memory_space<vmem>> -> memref<128xf32, #tpu.memory_space<vmem>>
    %dma_start3A_109 = arith.constant 0 : i32
    %dma_start3A_110 = tpu.memref_slice %arg5[%dma_start3A_105, %dma_start3A_106, %dma_start3A_109] : memref<196x2x128xi32, #tpu.memory_space<vmem>> -> memref<1x1x128xi32, #tpu.memory_space<vmem>>
    %dma_start3A_111 = tpu.memref_squeeze %dma_start3A_110 : memref<1x1x128xi32, #tpu.memory_space<vmem>> -> memref<128xi32, #tpu.memory_space<vmem>>
    %dma_start3A_112 = arith.constant 0 : i32
    %dma_start3A_113 = tpu.memref_slice %arg8[%dma_start3A_112] : memref<100096xf32, #tpu.memory_space<vmem_shared>> -> memref<100096xf32, #tpu.memory_space<vmem_shared>>
    tpu.enqueue_indirect_dma source(%dma_start3A_108 : memref<128xf32, #tpu.memory_space<vmem>>) target(%dma_start3A_113 : memref<100096xf32, #tpu.memory_space<vmem_shared>>) offsets(%dma_start3A_111 : memref<128xi32, #tpu.memory_space<vmem>>) semaphore(%arg10 : memref<!tpu.dma_semaphore, #tpu.memory_space<semaphore_mem>>) {add = true}
    %dma_start3A_114 = arith.constant 3 : i32
    %dma_start3A_115 = arith.constant 1 : i32
    %dma_start3A_116 = arith.constant 384 : i32
    %dma_start3A_117 = tpu.memref_slice %arg6[%dma_start3A_116] : memref<50176xf32, #tpu.memory_space<vmem>> -> memref<128xf32, #tpu.memory_space<vmem>>
    %dma_start3A_118 = arith.constant 0 : i32
    %dma_start3A_119 = tpu.memref_slice %arg5[%dma_start3A_114, %dma_start3A_115, %dma_start3A_118] : memref<196x2x128xi32, #tpu.memory_space<vmem>> -> memref<1x1x128xi32, #tpu.memory_space<vmem>>
    %dma_start3A_120 = tpu.memref_squeeze %dma_start3A_119 : memref<1x1x128xi32, #tpu.memory_space<vmem>> -> memref<128xi32, #tpu.memory_space<vmem>>
    %dma_start3A_121 = arith.constant 0 : i32
    %dma_start3A_122 = tpu.memref_slice %arg8[%dma_start3A_121] : memref<100096xf32, #tpu.memory_space<vmem_shared>> -> memref<100096xf32, #tpu.memory_space<vmem_shared>>
    tpu.enqueue_indirect_dma source(%dma_start3A_117 : memref<128xf32, #tpu.memory_space<vmem>>) target(%dma_start3A_122 : memref<100096xf32, #tpu.memory_space<vmem_shared>>) offsets(%dma_start3A_120 : memref<128xi32, #tpu.memory_space<vmem>>) semaphore(%arg10 : memref<!tpu.dma_semaphore, #tpu.memory_space<semaphore_mem>>) {add = true}
    %dma_start3A_123 = arith.constant 4 : i32
    %dma_start3A_124 = arith.constant 1 : i32
    %dma_start3A_125 = arith.constant 512 : i32
    %dma_start3A_126 = tpu.memref_slice %arg6[%dma_start3A_125] : memref<50176xf32, #tpu.memory_space<vmem>> -> memref<128xf32, #tpu.memory_space<vmem>>
    %dma_start3A_127 = arith.constant 0 : i32
    %dma_start3A_128 = tpu.memref_slice %arg5[%dma_start3A_123, %dma_start3A_124, %dma_start3A_127] : memref<196x2x128xi32, #tpu.memory_space<vmem>> -> memref<1x1x128xi32, #tpu.memory_space<vmem>>
    %dma_start3A_129 = tpu.memref_squeeze %dma_start3A_128 : memref<1x1x128xi32, #tpu.memory_space<vmem>> -> memref<128xi32, #tpu.memory_space<vmem>>
    %dma_start3A_130 = arith.constant 0 : i32
    %dma_start3A_131 = tpu.memref_slice %arg8[%dma_start3A_130] : memref<100096xf32, #tpu.memory_space<vmem_shared>> -> memref<100096xf32, #tpu.memory_space<vmem_shared>>
    tpu.enqueue_indirect_dma source(%dma_start3A_126 : memref<128xf32, #tpu.memory_space<vmem>>) target(%dma_start3A_131 : memref<100096xf32, #tpu.memory_space<vmem_shared>>) offsets(%dma_start3A_129 : memref<128xi32, #tpu.memory_space<vmem>>) semaphore(%arg10 : memref<!tpu.dma_semaphore, #tpu.memory_space<semaphore_mem>>) {add = true}
    %dma_start3A_132 = arith.constant 5 : i32
    %dma_start3A_133 = arith.constant 1 : i32
    %dma_start3A_134 = arith.constant 640 : i32
    %dma_start3A_135 = tpu.memref_slice %arg6[%dma_start3A_134] : memref<50176xf32, #tpu.memory_space<vmem>> -> memref<128xf32, #tpu.memory_space<vmem>>
    %dma_start3A_136 = arith.constant 0 : i32
    %dma_start3A_137 = tpu.memref_slice %arg5[%dma_start3A_132, %dma_start3A_133, %dma_start3A_136] : memref<196x2x128xi32, #tpu.memory_space<vmem>> -> memref<1x1x128xi32, #tpu.memory_space<vmem>>
    %dma_start3A_138 = tpu.memref_squeeze %dma_start3A_137 : memref<1x1x128xi32, #tpu.memory_space<vmem>> -> memref<128xi32, #tpu.memory_space<vmem>>
    %dma_start3A_139 = arith.constant 0 : i32
    %dma_start3A_140 = tpu.memref_slice %arg8[%dma_start3A_139] : memref<100096xf32, #tpu.memory_space<vmem_shared>> -> memref<100096xf32, #tpu.memory_space<vmem_shared>>
    tpu.enqueue_indirect_dma source(%dma_start3A_135 : memref<128xf32, #tpu.memory_space<vmem>>) target(%dma_start3A_140 : memref<100096xf32, #tpu.memory_space<vmem_shared>>) offsets(%dma_start3A_138 : memref<128xi32, #tpu.memory_space<vmem>>) semaphore(%arg10 : memref<!tpu.dma_semaphore, #tpu.memory_space<semaphore_mem>>) {add = true}
    %dma_start3A_141 = arith.constant 6 : i32
    %dma_start3A_142 = arith.constant 1 : i32
    %dma_start3A_143 = arith.constant 768 : i32
    %dma_start3A_144 = tpu.memref_slice %arg6[%dma_start3A_143] : memref<50176xf32, #tpu.memory_space<vmem>> -> memref<128xf32, #tpu.memory_space<vmem>>
    %dma_start3A_145 = arith.constant 0 : i32
    %dma_start3A_146 = tpu.memref_slice %arg5[%dma_start3A_141, %dma_start3A_142, %dma_start3A_145] : memref<196x2x128xi32, #tpu.memory_space<vmem>> -> memref<1x1x128xi32, #tpu.memory_space<vmem>>
    %dma_start3A_147 = tpu.memref_squeeze %dma_start3A_146 : memref<1x1x128xi32, #tpu.memory_space<vmem>> -> memref<128xi32, #tpu.memory_space<vmem>>
    %dma_start3A_148 = arith.constant 0 : i32
    %dma_start3A_149 = tpu.memref_slice %arg8[%dma_start3A_148] : memref<100096xf32, #tpu.memory_space<vmem_shared>> -> memref<100096xf32, #tpu.memory_space<vmem_shared>>
    tpu.enqueue_indirect_dma source(%dma_start3A_144 : memref<128xf32, #tpu.memory_space<vmem>>) target(%dma_start3A_149 : memref<100096xf32, #tpu.memory_space<vmem_shared>>) offsets(%dma_start3A_147 : memref<128xi32, #tpu.memory_space<vmem>>) semaphore(%arg10 : memref<!tpu.dma_semaphore, #tpu.memory_space<semaphore_mem>>) {add = true}
    %scan3A_150 = arith.constant 0 : i32
    %scan3A_151 = arith.constant 1 : i32
    %scan3A_152 = arith.constant 27 : i32
    %scan3A_153 = arith.addi %scan3A_151, %scan3A_152 : i32
    %scan3A_154 = arith.constant 1 : i32
    scf.for %scan3A_344 = %scan3A_151 to %scan3A_153 step %scan3A_154  : i32 {
      %mul3A_345 = arith.constant 7 : i32
      %mul3A_346 = arith.muli %scan3A_344, %mul3A_345 : i32
      %add3A_347 = arith.constant 0 : i32
      %add3A_348 = arith.addi %add3A_347, %mul3A_346 : i32
      %add3A_349 = arith.constant 0 : i32
      %add3A_350 = arith.addi %add3A_348, %add3A_349 : i32
      %mul3A_351 = arith.constant 128 : i32
      %mul3A_352 = arith.muli %add3A_350, %mul3A_351 : i32
      %mul3A_353 = arith.constant 7 : i32
      %mul3A_354 = arith.muli %scan3A_344, %mul3A_353 : i32
      %add3A_355 = arith.constant 0 : i32
      %add3A_356 = arith.addi %mul3A_354, %add3A_355 : i32
      %dma_start3A_357 = arith.constant 1 : i32
      %dma_start3A_358 = tpu.memref_slice %arg6[%mul3A_352] : memref<50176xf32, #tpu.memory_space<vmem>> -> memref<128xf32, #tpu.memory_space<vmem>>
      %dma_start3A_359 = arith.constant 0 : i32
      %dma_start3A_360 = tpu.memref_slice %arg5[%add3A_356, %dma_start3A_357, %dma_start3A_359] : memref<196x2x128xi32, #tpu.memory_space<vmem>> -> memref<1x1x128xi32, #tpu.memory_space<vmem>>
      %dma_start3A_361 = tpu.memref_squeeze %dma_start3A_360 : memref<1x1x128xi32, #tpu.memory_space<vmem>> -> memref<128xi32, #tpu.memory_space<vmem>>
      %dma_start3A_362 = arith.constant 0 : i32
      %dma_start3A_363 = tpu.memref_slice %arg8[%dma_start3A_362] : memref<100096xf32, #tpu.memory_space<vmem_shared>> -> memref<100096xf32, #tpu.memory_space<vmem_shared>>
      tpu.enqueue_indirect_dma source(%dma_start3A_358 : memref<128xf32, #tpu.memory_space<vmem>>) target(%dma_start3A_363 : memref<100096xf32, #tpu.memory_space<vmem_shared>>) offsets(%dma_start3A_361 : memref<128xi32, #tpu.memory_space<vmem>>) semaphore(%arg10 : memref<!tpu.dma_semaphore, #tpu.memory_space<semaphore_mem>>) {add = true}
      %mul3A_364 = arith.constant 7 : i32
      %mul3A_365 = arith.muli %scan3A_344, %mul3A_364 : i32
      %add3A_366 = arith.constant 0 : i32
      %add3A_367 = arith.addi %add3A_366, %mul3A_365 : i32
      %add3A_368 = arith.constant 1 : i32
      %add3A_369 = arith.addi %add3A_367, %add3A_368 : i32
      %mul3A_370 = arith.constant 128 : i32
      %mul3A_371 = arith.muli %add3A_369, %mul3A_370 : i32
      %mul3A_372 = arith.constant 7 : i32
      %mul3A_373 = arith.muli %scan3A_344, %mul3A_372 : i32
      %add3A_374 = arith.constant 1 : i32
      %add3A_375 = arith.addi %mul3A_373, %add3A_374 : i32
      %dma_start3A_376 = arith.constant 1 : i32
      %dma_start3A_377 = tpu.memref_slice %arg6[%mul3A_371] : memref<50176xf32, #tpu.memory_space<vmem>> -> memref<128xf32, #tpu.memory_space<vmem>>
      %dma_start3A_378 = arith.constant 0 : i32
      %dma_start3A_379 = tpu.memref_slice %arg5[%add3A_375, %dma_start3A_376, %dma_start3A_378] : memref<196x2x128xi32, #tpu.memory_space<vmem>> -> memref<1x1x128xi32, #tpu.memory_space<vmem>>
      %dma_start3A_380 = tpu.memref_squeeze %dma_start3A_379 : memref<1x1x128xi32, #tpu.memory_space<vmem>> -> memref<128xi32, #tpu.memory_space<vmem>>
      %dma_start3A_381 = arith.constant 0 : i32
      %dma_start3A_382 = tpu.memref_slice %arg8[%dma_start3A_381] : memref<100096xf32, #tpu.memory_space<vmem_shared>> -> memref<100096xf32, #tpu.memory_space<vmem_shared>>
      tpu.enqueue_indirect_dma source(%dma_start3A_377 : memref<128xf32, #tpu.memory_space<vmem>>) target(%dma_start3A_382 : memref<100096xf32, #tpu.memory_space<vmem_shared>>) offsets(%dma_start3A_380 : memref<128xi32, #tpu.memory_space<vmem>>) semaphore(%arg10 : memref<!tpu.dma_semaphore, #tpu.memory_space<semaphore_mem>>) {add = true}
      %mul3A_383 = arith.constant 7 : i32
      %mul3A_384 = arith.muli %scan3A_344, %mul3A_383 : i32
      %add3A_385 = arith.constant 0 : i32
      %add3A_386 = arith.addi %add3A_385, %mul3A_384 : i32
      %add3A_387 = arith.constant 2 : i32
      %add3A_388 = arith.addi %add3A_386, %add3A_387 : i32
      %mul3A_389 = arith.constant 128 : i32
      %mul3A_390 = arith.muli %add3A_388, %mul3A_389 : i32
      %mul3A_391 = arith.constant 7 : i32
      %mul3A_392 = arith.muli %scan3A_344, %mul3A_391 : i32
      %add3A_393 = arith.constant 2 : i32
      %add3A_394 = arith.addi %mul3A_392, %add3A_393 : i32
      %dma_start3A_395 = arith.constant 1 : i32
      %dma_start3A_396 = tpu.memref_slice %arg6[%mul3A_390] : memref<50176xf32, #tpu.memory_space<vmem>> -> memref<128xf32, #tpu.memory_space<vmem>>
      %dma_start3A_397 = arith.constant 0 : i32
      %dma_start3A_398 = tpu.memref_slice %arg5[%add3A_394, %dma_start3A_395, %dma_start3A_397] : memref<196x2x128xi32, #tpu.memory_space<vmem>> -> memref<1x1x128xi32, #tpu.memory_space<vmem>>
      %dma_start3A_399 = tpu.memref_squeeze %dma_start3A_398 : memref<1x1x128xi32, #tpu.memory_space<vmem>> -> memref<128xi32, #tpu.memory_space<vmem>>
      %dma_start3A_400 = arith.constant 0 : i32
      %dma_start3A_401 = tpu.memref_slice %arg8[%dma_start3A_400] : memref<100096xf32, #tpu.memory_space<vmem_shared>> -> memref<100096xf32, #tpu.memory_space<vmem_shared>>
      tpu.enqueue_indirect_dma source(%dma_start3A_396 : memref<128xf32, #tpu.memory_space<vmem>>) target(%dma_start3A_401 : memref<100096xf32, #tpu.memory_space<vmem_shared>>) offsets(%dma_start3A_399 : memref<128xi32, #tpu.memory_space<vmem>>) semaphore(%arg10 : memref<!tpu.dma_semaphore, #tpu.memory_space<semaphore_mem>>) {add = true}
      %mul3A_402 = arith.constant 7 : i32
      %mul3A_403 = arith.muli %scan3A_344, %mul3A_402 : i32
      %add3A_404 = arith.constant 0 : i32
      %add3A_405 = arith.addi %add3A_404, %mul3A_403 : i32
      %add3A_406 = arith.constant 3 : i32
      %add3A_407 = arith.addi %add3A_405, %add3A_406 : i32
      %mul3A_408 = arith.constant 128 : i32
      %mul3A_409 = arith.muli %add3A_407, %mul3A_408 : i32
      %mul3A_410 = arith.constant 7 : i32
      %mul3A_411 = arith.muli %scan3A_344, %mul3A_410 : i32
      %add3A_412 = arith.constant 3 : i32
      %add3A_413 = arith.addi %mul3A_411, %add3A_412 : i32
      %dma_start3A_414 = arith.constant 1 : i32
      %dma_start3A_415 = tpu.memref_slice %arg6[%mul3A_409] : memref<50176xf32, #tpu.memory_space<vmem>> -> memref<128xf32, #tpu.memory_space<vmem>>
      %dma_start3A_416 = arith.constant 0 : i32
      %dma_start3A_417 = tpu.memref_slice %arg5[%add3A_413, %dma_start3A_414, %dma_start3A_416] : memref<196x2x128xi32, #tpu.memory_space<vmem>> -> memref<1x1x128xi32, #tpu.memory_space<vmem>>
      %dma_start3A_418 = tpu.memref_squeeze %dma_start3A_417 : memref<1x1x128xi32, #tpu.memory_space<vmem>> -> memref<128xi32, #tpu.memory_space<vmem>>
      %dma_start3A_419 = arith.constant 0 : i32
      %dma_start3A_420 = tpu.memref_slice %arg8[%dma_start3A_419] : memref<100096xf32, #tpu.memory_space<vmem_shared>> -> memref<100096xf32, #tpu.memory_space<vmem_shared>>
      tpu.enqueue_indirect_dma source(%dma_start3A_415 : memref<128xf32, #tpu.memory_space<vmem>>) target(%dma_start3A_420 : memref<100096xf32, #tpu.memory_space<vmem_shared>>) offsets(%dma_start3A_418 : memref<128xi32, #tpu.memory_space<vmem>>) semaphore(%arg10 : memref<!tpu.dma_semaphore, #tpu.memory_space<semaphore_mem>>) {add = true}
      %mul3A_421 = arith.constant 7 : i32
      %mul3A_422 = arith.muli %scan3A_344, %mul3A_421 : i32
      %add3A_423 = arith.constant 0 : i32
      %add3A_424 = arith.addi %add3A_423, %mul3A_422 : i32
      %add3A_425 = arith.constant 4 : i32
      %add3A_426 = arith.addi %add3A_424, %add3A_425 : i32
      %mul3A_427 = arith.constant 128 : i32
      %mul3A_428 = arith.muli %add3A_426, %mul3A_427 : i32
      %mul3A_429 = arith.constant 7 : i32
      %mul3A_430 = arith.muli %scan3A_344, %mul3A_429 : i32
      %add3A_431 = arith.constant 4 : i32
      %add3A_432 = arith.addi %mul3A_430, %add3A_431 : i32
      %dma_start3A_433 = arith.constant 1 : i32
      %dma_start3A_434 = tpu.memref_slice %arg6[%mul3A_428] : memref<50176xf32, #tpu.memory_space<vmem>> -> memref<128xf32, #tpu.memory_space<vmem>>
      %dma_start3A_435 = arith.constant 0 : i32
      %dma_start3A_436 = tpu.memref_slice %arg5[%add3A_432, %dma_start3A_433, %dma_start3A_435] : memref<196x2x128xi32, #tpu.memory_space<vmem>> -> memref<1x1x128xi32, #tpu.memory_space<vmem>>
      %dma_start3A_437 = tpu.memref_squeeze %dma_start3A_436 : memref<1x1x128xi32, #tpu.memory_space<vmem>> -> memref<128xi32, #tpu.memory_space<vmem>>
      %dma_start3A_438 = arith.constant 0 : i32
      %dma_start3A_439 = tpu.memref_slice %arg8[%dma_start3A_438] : memref<100096xf32, #tpu.memory_space<vmem_shared>> -> memref<100096xf32, #tpu.memory_space<vmem_shared>>
      tpu.enqueue_indirect_dma source(%dma_start3A_434 : memref<128xf32, #tpu.memory_space<vmem>>) target(%dma_start3A_439 : memref<100096xf32, #tpu.memory_space<vmem_shared>>) offsets(%dma_start3A_437 : memref<128xi32, #tpu.memory_space<vmem>>) semaphore(%arg10 : memref<!tpu.dma_semaphore, #tpu.memory_space<semaphore_mem>>) {add = true}
      %mul3A_440 = arith.constant 7 : i32
      %mul3A_441 = arith.muli %scan3A_344, %mul3A_440 : i32
      %add3A_442 = arith.constant 0 : i32
      %add3A_443 = arith.addi %add3A_442, %mul3A_441 : i32
      %add3A_444 = arith.constant 5 : i32
      %add3A_445 = arith.addi %add3A_443, %add3A_444 : i32
      %mul3A_446 = arith.constant 128 : i32
      %mul3A_447 = arith.muli %add3A_445, %mul3A_446 : i32
      %mul3A_448 = arith.constant 7 : i32
      %mul3A_449 = arith.muli %scan3A_344, %mul3A_448 : i32
      %add3A_450 = arith.constant 5 : i32
      %add3A_451 = arith.addi %mul3A_449, %add3A_450 : i32
      %dma_start3A_452 = arith.constant 1 : i32
      %dma_start3A_453 = tpu.memref_slice %arg6[%mul3A_447] : memref<50176xf32, #tpu.memory_space<vmem>> -> memref<128xf32, #tpu.memory_space<vmem>>
      %dma_start3A_454 = arith.constant 0 : i32
      %dma_start3A_455 = tpu.memref_slice %arg5[%add3A_451, %dma_start3A_452, %dma_start3A_454] : memref<196x2x128xi32, #tpu.memory_space<vmem>> -> memref<1x1x128xi32, #tpu.memory_space<vmem>>
      %dma_start3A_456 = tpu.memref_squeeze %dma_start3A_455 : memref<1x1x128xi32, #tpu.memory_space<vmem>> -> memref<128xi32, #tpu.memory_space<vmem>>
      %dma_start3A_457 = arith.constant 0 : i32
      %dma_start3A_458 = tpu.memref_slice %arg8[%dma_start3A_457] : memref<100096xf32, #tpu.memory_space<vmem_shared>> -> memref<100096xf32, #tpu.memory_space<vmem_shared>>
      tpu.enqueue_indirect_dma source(%dma_start3A_453 : memref<128xf32, #tpu.memory_space<vmem>>) target(%dma_start3A_458 : memref<100096xf32, #tpu.memory_space<vmem_shared>>) offsets(%dma_start3A_456 : memref<128xi32, #tpu.memory_space<vmem>>) semaphore(%arg10 : memref<!tpu.dma_semaphore, #tpu.memory_space<semaphore_mem>>) {add = true}
      %mul3A_459 = arith.constant 7 : i32
      %mul3A_460 = arith.muli %scan3A_344, %mul3A_459 : i32
      %add3A_461 = arith.constant 0 : i32
      %add3A_462 = arith.addi %add3A_461, %mul3A_460 : i32
      %add3A_463 = arith.constant 6 : i32
      %add3A_464 = arith.addi %add3A_462, %add3A_463 : i32
      %mul3A_465 = arith.constant 128 : i32
      %mul3A_466 = arith.muli %add3A_464, %mul3A_465 : i32
      %mul3A_467 = arith.constant 7 : i32
      %mul3A_468 = arith.muli %scan3A_344, %mul3A_467 : i32
      %add3A_469 = arith.constant 6 : i32
      %add3A_470 = arith.addi %mul3A_468, %add3A_469 : i32
      %dma_start3A_471 = arith.constant 1 : i32
      %dma_start3A_472 = tpu.memref_slice %arg6[%mul3A_466] : memref<50176xf32, #tpu.memory_space<vmem>> -> memref<128xf32, #tpu.memory_space<vmem>>
      %dma_start3A_473 = arith.constant 0 : i32
      %dma_start3A_474 = tpu.memref_slice %arg5[%add3A_470, %dma_start3A_471, %dma_start3A_473] : memref<196x2x128xi32, #tpu.memory_space<vmem>> -> memref<1x1x128xi32, #tpu.memory_space<vmem>>
      %dma_start3A_475 = tpu.memref_squeeze %dma_start3A_474 : memref<1x1x128xi32, #tpu.memory_space<vmem>> -> memref<128xi32, #tpu.memory_space<vmem>>
      %dma_start3A_476 = arith.constant 0 : i32
      %dma_start3A_477 = tpu.memref_slice %arg8[%dma_start3A_476] : memref<100096xf32, #tpu.memory_space<vmem_shared>> -> memref<100096xf32, #tpu.memory_space<vmem_shared>>
      tpu.enqueue_indirect_dma source(%dma_start3A_472 : memref<128xf32, #tpu.memory_space<vmem>>) target(%dma_start3A_477 : memref<100096xf32, #tpu.memory_space<vmem_shared>>) offsets(%dma_start3A_475 : memref<128xi32, #tpu.memory_space<vmem>>) semaphore(%arg10 : memref<!tpu.dma_semaphore, #tpu.memory_space<semaphore_mem>>) {add = true}
      %dma_wait3A_478 = arith.constant 0 : i32
      %dma_wait3A_479 = tpu.memref_slice %arg6[%dma_wait3A_478] : memref<50176xf32, #tpu.memory_space<vmem>> -> memref<128xf32, #tpu.memory_space<vmem>>
      %dma_wait3A_480 = arith.constant 0 : i32
      %dma_wait3A_481 = tpu.memref_slice %arg3[%dma_wait3A_480] : memref<1600000xf32, #tpu.memory_space<hbm>> -> memref<128xf32, #tpu.memory_space<hbm>>
      %dma_wait3A_482 = arith.constant 0 : i32
      %dma_wait3A_483 = tpu.memref_slice %arg6[%dma_wait3A_482] : memref<50176xf32, #tpu.memory_space<vmem>> -> memref<128xf32, #tpu.memory_space<vmem>>
      %dma_wait3A_484 = arith.constant 0 : i32
      %dma_wait3A_485 = tpu.memref_slice %arg3[%dma_wait3A_484] : memref<1600000xf32, #tpu.memory_space<hbm>> -> memref<128xf32, #tpu.memory_space<hbm>>
      tpu.wait_dma2 semaphore(%arg10 : memref<!tpu.dma_semaphore, #tpu.memory_space<semaphore_mem>>) src(%dma_wait3A_485 : memref<128xf32, #tpu.memory_space<hbm>>) dst(%dma_wait3A_483 : memref<128xf32, #tpu.memory_space<vmem>>)
      %dma_wait3A_486 = arith.constant 0 : i32
      %dma_wait3A_487 = tpu.memref_slice %arg6[%dma_wait3A_486] : memref<50176xf32, #tpu.memory_space<vmem>> -> memref<128xf32, #tpu.memory_space<vmem>>
      %dma_wait3A_488 = arith.constant 0 : i32
      %dma_wait3A_489 = tpu.memref_slice %arg3[%dma_wait3A_488] : memref<1600000xf32, #tpu.memory_space<hbm>> -> memref<128xf32, #tpu.memory_space<hbm>>
      %dma_wait3A_490 = arith.constant 0 : i32
      %dma_wait3A_491 = tpu.memref_slice %arg6[%dma_wait3A_490] : memref<50176xf32, #tpu.memory_space<vmem>> -> memref<128xf32, #tpu.memory_space<vmem>>
      %dma_wait3A_492 = arith.constant 0 : i32
      %dma_wait3A_493 = tpu.memref_slice %arg3[%dma_wait3A_492] : memref<1600000xf32, #tpu.memory_space<hbm>> -> memref<128xf32, #tpu.memory_space<hbm>>
      tpu.wait_dma2 semaphore(%arg10 : memref<!tpu.dma_semaphore, #tpu.memory_space<semaphore_mem>>) src(%dma_wait3A_493 : memref<128xf32, #tpu.memory_space<hbm>>) dst(%dma_wait3A_491 : memref<128xf32, #tpu.memory_space<vmem>>)
      %dma_wait3A_494 = arith.constant 0 : i32
      %dma_wait3A_495 = tpu.memref_slice %arg6[%dma_wait3A_494] : memref<50176xf32, #tpu.memory_space<vmem>> -> memref<128xf32, #tpu.memory_space<vmem>>
      %dma_wait3A_496 = arith.constant 0 : i32
      %dma_wait3A_497 = tpu.memref_slice %arg3[%dma_wait3A_496] : memref<1600000xf32, #tpu.memory_space<hbm>> -> memref<128xf32, #tpu.memory_space<hbm>>
      %dma_wait3A_498 = arith.constant 0 : i32
      %dma_wait3A_499 = tpu.memref_slice %arg6[%dma_wait3A_498] : memref<50176xf32, #tpu.memory_space<vmem>> -> memref<128xf32, #tpu.memory_space<vmem>>
      %dma_wait3A_500 = arith.constant 0 : i32
      %dma_wait3A_501 = tpu.memref_slice %arg3[%dma_wait3A_500] : memref<1600000xf32, #tpu.memory_space<hbm>> -> memref<128xf32, #tpu.memory_space<hbm>>
      tpu.wait_dma2 semaphore(%arg10 : memref<!tpu.dma_semaphore, #tpu.memory_space<semaphore_mem>>) src(%dma_wait3A_501 : memref<128xf32, #tpu.memory_space<hbm>>) dst(%dma_wait3A_499 : memref<128xf32, #tpu.memory_space<vmem>>)
      %dma_wait3A_502 = arith.constant 0 : i32
      %dma_wait3A_503 = tpu.memref_slice %arg6[%dma_wait3A_502] : memref<50176xf32, #tpu.memory_space<vmem>> -> memref<128xf32, #tpu.memory_space<vmem>>
      %dma_wait3A_504 = arith.constant 0 : i32
      %dma_wait3A_505 = tpu.memref_slice %arg3[%dma_wait3A_504] : memref<1600000xf32, #tpu.memory_space<hbm>> -> memref<128xf32, #tpu.memory_space<hbm>>
      %dma_wait3A_506 = arith.constant 0 : i32
      %dma_wait3A_507 = tpu.memref_slice %arg6[%dma_wait3A_506] : memref<50176xf32, #tpu.memory_space<vmem>> -> memref<128xf32, #tpu.memory_space<vmem>>
      %dma_wait3A_508 = arith.constant 0 : i32
      %dma_wait3A_509 = tpu.memref_slice %arg3[%dma_wait3A_508] : memref<1600000xf32, #tpu.memory_space<hbm>> -> memref<128xf32, #tpu.memory_space<hbm>>
      tpu.wait_dma2 semaphore(%arg10 : memref<!tpu.dma_semaphore, #tpu.memory_space<semaphore_mem>>) src(%dma_wait3A_509 : memref<128xf32, #tpu.memory_space<hbm>>) dst(%dma_wait3A_507 : memref<128xf32, #tpu.memory_space<vmem>>)
      %dma_wait3A_510 = arith.constant 0 : i32
      %dma_wait3A_511 = tpu.memref_slice %arg6[%dma_wait3A_510] : memref<50176xf32, #tpu.memory_space<vmem>> -> memref<128xf32, #tpu.memory_space<vmem>>
      %dma_wait3A_512 = arith.constant 0 : i32
      %dma_wait3A_513 = tpu.memref_slice %arg3[%dma_wait3A_512] : memref<1600000xf32, #tpu.memory_space<hbm>> -> memref<128xf32, #tpu.memory_space<hbm>>
      %dma_wait3A_514 = arith.constant 0 : i32
      %dma_wait3A_515 = tpu.memref_slice %arg6[%dma_wait3A_514] : memref<50176xf32, #tpu.memory_space<vmem>> -> memref<128xf32, #tpu.memory_space<vmem>>
      %dma_wait3A_516 = arith.constant 0 : i32
      %dma_wait3A_517 = tpu.memref_slice %arg3[%dma_wait3A_516] : memref<1600000xf32, #tpu.memory_space<hbm>> -> memref<128xf32, #tpu.memory_space<hbm>>
      tpu.wait_dma2 semaphore(%arg10 : memref<!tpu.dma_semaphore, #tpu.memory_space<semaphore_mem>>) src(%dma_wait3A_517 : memref<128xf32, #tpu.memory_space<hbm>>) dst(%dma_wait3A_515 : memref<128xf32, #tpu.memory_space<vmem>>)
      %dma_wait3A_518 = arith.constant 0 : i32
      %dma_wait3A_519 = tpu.memref_slice %arg6[%dma_wait3A_518] : memref<50176xf32, #tpu.memory_space<vmem>> -> memref<128xf32, #tpu.memory_space<vmem>>
      %dma_wait3A_520 = arith.constant 0 : i32
      %dma_wait3A_521 = tpu.memref_slice %arg3[%dma_wait3A_520] : memref<1600000xf32, #tpu.memory_space<hbm>> -> memref<128xf32, #tpu.memory_space<hbm>>
      %dma_wait3A_522 = arith.constant 0 : i32
      %dma_wait3A_523 = tpu.memref_slice %arg6[%dma_wait3A_522] : memref<50176xf32, #tpu.memory_space<vmem>> -> memref<128xf32, #tpu.memory_space<vmem>>
      %dma_wait3A_524 = arith.constant 0 : i32
      %dma_wait3A_525 = tpu.memref_slice %arg3[%dma_wait3A_524] : memref<1600000xf32, #tpu.memory_space<hbm>> -> memref<128xf32, #tpu.memory_space<hbm>>
      tpu.wait_dma2 semaphore(%arg10 : memref<!tpu.dma_semaphore, #tpu.memory_space<semaphore_mem>>) src(%dma_wait3A_525 : memref<128xf32, #tpu.memory_space<hbm>>) dst(%dma_wait3A_523 : memref<128xf32, #tpu.memory_space<vmem>>)
      %dma_wait3A_526 = arith.constant 0 : i32
      %dma_wait3A_527 = tpu.memref_slice %arg6[%dma_wait3A_526] : memref<50176xf32, #tpu.memory_space<vmem>> -> memref<128xf32, #tpu.memory_space<vmem>>
      %dma_wait3A_528 = arith.constant 0 : i32
      %dma_wait3A_529 = tpu.memref_slice %arg3[%dma_wait3A_528] : memref<1600000xf32, #tpu.memory_space<hbm>> -> memref<128xf32, #tpu.memory_space<hbm>>
      %dma_wait3A_530 = arith.constant 0 : i32
      %dma_wait3A_531 = tpu.memref_slice %arg6[%dma_wait3A_530] : memref<50176xf32, #tpu.memory_space<vmem>> -> memref<128xf32, #tpu.memory_space<vmem>>
      %dma_wait3A_532 = arith.constant 0 : i32
      %dma_wait3A_533 = tpu.memref_slice %arg3[%dma_wait3A_532] : memref<1600000xf32, #tpu.memory_space<hbm>> -> memref<128xf32, #tpu.memory_space<hbm>>
      tpu.wait_dma2 semaphore(%arg10 : memref<!tpu.dma_semaphore, #tpu.memory_space<semaphore_mem>>) src(%dma_wait3A_533 : memref<128xf32, #tpu.memory_space<hbm>>) dst(%dma_wait3A_531 : memref<128xf32, #tpu.memory_space<vmem>>)
    }
    %scan3A_155 = arith.constant 27 : i32
    %dma_wait3A_156 = arith.constant 0 : i32
    %dma_wait3A_157 = tpu.memref_slice %arg6[%dma_wait3A_156] : memref<50176xf32, #tpu.memory_space<vmem>> -> memref<128xf32, #tpu.memory_space<vmem>>
    %dma_wait3A_158 = arith.constant 0 : i32
    %dma_wait3A_159 = tpu.memref_slice %arg3[%dma_wait3A_158] : memref<1600000xf32, #tpu.memory_space<hbm>> -> memref<128xf32, #tpu.memory_space<hbm>>
    %dma_wait3A_160 = arith.constant 0 : i32
    %dma_wait3A_161 = tpu.memref_slice %arg6[%dma_wait3A_160] : memref<50176xf32, #tpu.memory_space<vmem>> -> memref<128xf32, #tpu.memory_space<vmem>>
    %dma_wait3A_162 = arith.constant 0 : i32
    %dma_wait3A_163 = tpu.memref_slice %arg3[%dma_wait3A_162] : memref<1600000xf32, #tpu.memory_space<hbm>> -> memref<128xf32, #tpu.memory_space<hbm>>
    tpu.wait_dma2 semaphore(%arg10 : memref<!tpu.dma_semaphore, #tpu.memory_space<semaphore_mem>>) src(%dma_wait3A_163 : memref<128xf32, #tpu.memory_space<hbm>>) dst(%dma_wait3A_161 : memref<128xf32, #tpu.memory_space<vmem>>)
    %dma_wait3A_164 = arith.constant 0 : i32
    %dma_wait3A_165 = tpu.memref_slice %arg6[%dma_wait3A_164] : memref<50176xf32, #tpu.memory_space<vmem>> -> memref<128xf32, #tpu.memory_space<vmem>>
    %dma_wait3A_166 = arith.constant 0 : i32
    %dma_wait3A_167 = tpu.memref_slice %arg3[%dma_wait3A_166] : memref<1600000xf32, #tpu.memory_space<hbm>> -> memref<128xf32, #tpu.memory_space<hbm>>
    %dma_wait3A_168 = arith.constant 0 : i32
    %dma_wait3A_169 = tpu.memref_slice %arg6[%dma_wait3A_168] : memref<50176xf32, #tpu.memory_space<vmem>> -> memref<128xf32, #tpu.memory_space<vmem>>
    %dma_wait3A_170 = arith.constant 0 : i32
    %dma_wait3A_171 = tpu.memref_slice %arg3[%dma_wait3A_170] : memref<1600000xf32, #tpu.memory_space<hbm>> -> memref<128xf32, #tpu.memory_space<hbm>>
    tpu.wait_dma2 semaphore(%arg10 : memref<!tpu.dma_semaphore, #tpu.memory_space<semaphore_mem>>) src(%dma_wait3A_171 : memref<128xf32, #tpu.memory_space<hbm>>) dst(%dma_wait3A_169 : memref<128xf32, #tpu.memory_space<vmem>>)
    %dma_wait3A_172 = arith.constant 0 : i32
    %dma_wait3A_173 = tpu.memref_slice %arg6[%dma_wait3A_172] : memref<50176xf32, #tpu.memory_space<vmem>> -> memref<128xf32, #tpu.memory_space<vmem>>
    %dma_wait3A_174 = arith.constant 0 : i32
    %dma_wait3A_175 = tpu.memref_slice %arg3[%dma_wait3A_174] : memref<1600000xf32, #tpu.memory_space<hbm>> -> memref<128xf32, #tpu.memory_space<hbm>>
    %dma_wait3A_176 = arith.constant 0 : i32
    %dma_wait3A_177 = tpu.memref_slice %arg6[%dma_wait3A_176] : memref<50176xf32, #tpu.memory_space<vmem>> -> memref<128xf32, #tpu.memory_space<vmem>>
    %dma_wait3A_178 = arith.constant 0 : i32
    %dma_wait3A_179 = tpu.memref_slice %arg3[%dma_wait3A_178] : memref<1600000xf32, #tpu.memory_space<hbm>> -> memref<128xf32, #tpu.memory_space<hbm>>
    tpu.wait_dma2 semaphore(%arg10 : memref<!tpu.dma_semaphore, #tpu.memory_space<semaphore_mem>>) src(%dma_wait3A_179 : memref<128xf32, #tpu.memory_space<hbm>>) dst(%dma_wait3A_177 : memref<128xf32, #tpu.memory_space<vmem>>)
    %dma_wait3A_180 = arith.constant 0 : i32
    %dma_wait3A_181 = tpu.memref_slice %arg6[%dma_wait3A_180] : memref<50176xf32, #tpu.memory_space<vmem>> -> memref<128xf32, #tpu.memory_space<vmem>>
    %dma_wait3A_182 = arith.constant 0 : i32
    %dma_wait3A_183 = tpu.memref_slice %arg3[%dma_wait3A_182] : memref<1600000xf32, #tpu.memory_space<hbm>> -> memref<128xf32, #tpu.memory_space<hbm>>
    %dma_wait3A_184 = arith.constant 0 : i32
    %dma_wait3A_185 = tpu.memref_slice %arg6[%dma_wait3A_184] : memref<50176xf32, #tpu.memory_space<vmem>> -> memref<128xf32, #tpu.memory_space<vmem>>
    %dma_wait3A_186 = arith.constant 0 : i32
    %dma_wait3A_187 = tpu.memref_slice %arg3[%dma_wait3A_186] : memref<1600000xf32, #tpu.memory_space<hbm>> -> memref<128xf32, #tpu.memory_space<hbm>>
    tpu.wait_dma2 semaphore(%arg10 : memref<!tpu.dma_semaphore, #tpu.memory_space<semaphore_mem>>) src(%dma_wait3A_187 : memref<128xf32, #tpu.memory_space<hbm>>) dst(%dma_wait3A_185 : memref<128xf32, #tpu.memory_space<vmem>>)
    %dma_wait3A_188 = arith.constant 0 : i32
    %dma_wait3A_189 = tpu.memref_slice %arg6[%dma_wait3A_188] : memref<50176xf32, #tpu.memory_space<vmem>> -> memref<128xf32, #tpu.memory_space<vmem>>
    %dma_wait3A_190 = arith.constant 0 : i32
    %dma_wait3A_191 = tpu.memref_slice %arg3[%dma_wait3A_190] : memref<1600000xf32, #tpu.memory_space<hbm>> -> memref<128xf32, #tpu.memory_space<hbm>>
    %dma_wait3A_192 = arith.constant 0 : i32
    %dma_wait3A_193 = tpu.memref_slice %arg6[%dma_wait3A_192] : memref<50176xf32, #tpu.memory_space<vmem>> -> memref<128xf32, #tpu.memory_space<vmem>>
    %dma_wait3A_194 = arith.constant 0 : i32
    %dma_wait3A_195 = tpu.memref_slice %arg3[%dma_wait3A_194] : memref<1600000xf32, #tpu.memory_space<hbm>> -> memref<128xf32, #tpu.memory_space<hbm>>
    tpu.wait_dma2 semaphore(%arg10 : memref<!tpu.dma_semaphore, #tpu.memory_space<semaphore_mem>>) src(%dma_wait3A_195 : memref<128xf32, #tpu.memory_space<hbm>>) dst(%dma_wait3A_193 : memref<128xf32, #tpu.memory_space<vmem>>)
    %dma_wait3A_196 = arith.constant 0 : i32
    %dma_wait3A_197 = tpu.memref_slice %arg6[%dma_wait3A_196] : memref<50176xf32, #tpu.memory_space<vmem>> -> memref<128xf32, #tpu.memory_space<vmem>>
    %dma_wait3A_198 = arith.constant 0 : i32
    %dma_wait3A_199 = tpu.memref_slice %arg3[%dma_wait3A_198] : memref<1600000xf32, #tpu.memory_space<hbm>> -> memref<128xf32, #tpu.memory_space<hbm>>
    %dma_wait3A_200 = arith.constant 0 : i32
    %dma_wait3A_201 = tpu.memref_slice %arg6[%dma_wait3A_200] : memref<50176xf32, #tpu.memory_space<vmem>> -> memref<128xf32, #tpu.memory_space<vmem>>
    %dma_wait3A_202 = arith.constant 0 : i32
    %dma_wait3A_203 = tpu.memref_slice %arg3[%dma_wait3A_202] : memref<1600000xf32, #tpu.memory_space<hbm>> -> memref<128xf32, #tpu.memory_space<hbm>>
    tpu.wait_dma2 semaphore(%arg10 : memref<!tpu.dma_semaphore, #tpu.memory_space<semaphore_mem>>) src(%dma_wait3A_203 : memref<128xf32, #tpu.memory_space<hbm>>) dst(%dma_wait3A_201 : memref<128xf32, #tpu.memory_space<vmem>>)
    %dma_wait3A_204 = arith.constant 0 : i32
    %dma_wait3A_205 = tpu.memref_slice %arg6[%dma_wait3A_204] : memref<50176xf32, #tpu.memory_space<vmem>> -> memref<128xf32, #tpu.memory_space<vmem>>
    %dma_wait3A_206 = arith.constant 0 : i32
    %dma_wait3A_207 = tpu.memref_slice %arg3[%dma_wait3A_206] : memref<1600000xf32, #tpu.memory_space<hbm>> -> memref<128xf32, #tpu.memory_space<hbm>>
    %dma_wait3A_208 = arith.constant 0 : i32
    %dma_wait3A_209 = tpu.memref_slice %arg6[%dma_wait3A_208] : memref<50176xf32, #tpu.memory_space<vmem>> -> memref<128xf32, #tpu.memory_space<vmem>>
    %dma_wait3A_210 = arith.constant 0 : i32
    %dma_wait3A_211 = tpu.memref_slice %arg3[%dma_wait3A_210] : memref<1600000xf32, #tpu.memory_space<hbm>> -> memref<128xf32, #tpu.memory_space<hbm>>
    tpu.wait_dma2 semaphore(%arg10 : memref<!tpu.dma_semaphore, #tpu.memory_space<semaphore_mem>>) src(%dma_wait3A_211 : memref<128xf32, #tpu.memory_space<hbm>>) dst(%dma_wait3A_209 : memref<128xf32, #tpu.memory_space<vmem>>)
    %add3A_212 = arith.constant 196 : i32
    %add3A_213 = arith.addi %min3A_48, %add3A_212 : i32
    "tpu.region"() ({
      %run_scoped3A = tpu.sem_alloc : memref<!tpu.dma_semaphore, #tpu.memory_space<semaphore_mem>>
      %dma_start3A_344 = arith.constant 0 : i32
      %dma_start3A_345 = arith.constant 0 : i32
      %dma_start3A_346 = tpu.memref_slice %arg2[%add3A_213, %dma_start3A_344, %dma_start3A_345] : memref<12500x2x128xi32, #tpu.memory_space<hbm>> -> memref<196x2x128xi32, #tpu.memory_space<hbm>>
      %dma_start3A_347 = arith.constant 0 : i32
      %dma_start3A_348 = arith.constant 0 : i32
      %dma_start3A_349 = tpu.memref_slice %arg2[%add3A_213, %dma_start3A_347, %dma_start3A_348] : memref<12500x2x128xi32, #tpu.memory_space<hbm>> -> memref<196x2x128xi32, #tpu.memory_space<hbm>>
      tpu.enqueue_dma source(%dma_start3A_349 : memref<196x2x128xi32, #tpu.memory_space<hbm>>) target(%arg5 : memref<196x2x128xi32, #tpu.memory_space<vmem>>) target_semaphore(%run_scoped3A : memref<!tpu.dma_semaphore, #tpu.memory_space<semaphore_mem>>)
      %dma_wait3A_350 = arith.constant 0 : i32
      %dma_wait3A_351 = arith.constant 0 : i32
      %dma_wait3A_352 = tpu.memref_slice %arg2[%add3A_213, %dma_wait3A_350, %dma_wait3A_351] : memref<12500x2x128xi32, #tpu.memory_space<hbm>> -> memref<196x2x128xi32, #tpu.memory_space<hbm>>
      %dma_wait3A_353 = arith.constant 0 : i32
      %dma_wait3A_354 = arith.constant 0 : i32
      %dma_wait3A_355 = tpu.memref_slice %arg2[%add3A_213, %dma_wait3A_353, %dma_wait3A_354] : memref<12500x2x128xi32, #tpu.memory_space<hbm>> -> memref<196x2x128xi32, #tpu.memory_space<hbm>>
      tpu.wait_dma2 semaphore(%run_scoped3A : memref<!tpu.dma_semaphore, #tpu.memory_space<semaphore_mem>>) src(%dma_wait3A_355 : memref<196x2x128xi32, #tpu.memory_space<hbm>>) dst(%arg5 : memref<196x2x128xi32, #tpu.memory_space<vmem>>)
      tpu.yield
    }) : () -> ()
    %dma_start3A_214 = arith.constant 0 : i32
    %dma_start3A_215 = arith.constant 1 : i32
    %dma_start3A_216 = arith.constant 25088 : i32
    %dma_start3A_217 = tpu.memref_slice %arg6[%dma_start3A_216] : memref<50176xf32, #tpu.memory_space<vmem>> -> memref<128xf32, #tpu.memory_space<vmem>>
    %dma_start3A_218 = arith.constant 0 : i32
    %dma_start3A_219 = tpu.memref_slice %arg5[%dma_start3A_214, %dma_start3A_215, %dma_start3A_218] : memref<196x2x128xi32, #tpu.memory_space<vmem>> -> memref<1x1x128xi32, #tpu.memory_space<vmem>>
    %dma_start3A_220 = tpu.memref_squeeze %dma_start3A_219 : memref<1x1x128xi32, #tpu.memory_space<vmem>> -> memref<128xi32, #tpu.memory_space<vmem>>
    %dma_start3A_221 = arith.constant 0 : i32
    %dma_start3A_222 = tpu.memref_slice %arg8[%dma_start3A_221] : memref<100096xf32, #tpu.memory_space<vmem_shared>> -> memref<100096xf32, #tpu.memory_space<vmem_shared>>
    tpu.enqueue_indirect_dma source(%dma_start3A_217 : memref<128xf32, #tpu.memory_space<vmem>>) target(%dma_start3A_222 : memref<100096xf32, #tpu.memory_space<vmem_shared>>) offsets(%dma_start3A_220 : memref<128xi32, #tpu.memory_space<vmem>>) semaphore(%arg10 : memref<!tpu.dma_semaphore, #tpu.memory_space<semaphore_mem>>) {add = true}
    %dma_start3A_223 = arith.constant 1 : i32
    %dma_start3A_224 = arith.constant 1 : i32
    %dma_start3A_225 = arith.constant 25216 : i32
    %dma_start3A_226 = tpu.memref_slice %arg6[%dma_start3A_225] : memref<50176xf32, #tpu.memory_space<vmem>> -> memref<128xf32, #tpu.memory_space<vmem>>
    %dma_start3A_227 = arith.constant 0 : i32
    %dma_start3A_228 = tpu.memref_slice %arg5[%dma_start3A_223, %dma_start3A_224, %dma_start3A_227] : memref<196x2x128xi32, #tpu.memory_space<vmem>> -> memref<1x1x128xi32, #tpu.memory_space<vmem>>
    %dma_start3A_229 = tpu.memref_squeeze %dma_start3A_228 : memref<1x1x128xi32, #tpu.memory_space<vmem>> -> memref<128xi32, #tpu.memory_space<vmem>>
    %dma_start3A_230 = arith.constant 0 : i32
    %dma_start3A_231 = tpu.memref_slice %arg8[%dma_start3A_230] : memref<100096xf32, #tpu.memory_space<vmem_shared>> -> memref<100096xf32, #tpu.memory_space<vmem_shared>>
    tpu.enqueue_indirect_dma source(%dma_start3A_226 : memref<128xf32, #tpu.memory_space<vmem>>) target(%dma_start3A_231 : memref<100096xf32, #tpu.memory_space<vmem_shared>>) offsets(%dma_start3A_229 : memref<128xi32, #tpu.memory_space<vmem>>) semaphore(%arg10 : memref<!tpu.dma_semaphore, #tpu.memory_space<semaphore_mem>>) {add = true}
    %dma_start3A_232 = arith.constant 2 : i32
    %dma_start3A_233 = arith.constant 1 : i32
    %dma_start3A_234 = arith.constant 25344 : i32
    %dma_start3A_235 = tpu.memref_slice %arg6[%dma_start3A_234] : memref<50176xf32, #tpu.memory_space<vmem>> -> memref<128xf32, #tpu.memory_space<vmem>>
    %dma_start3A_236 = arith.constant 0 : i32
    %dma_start3A_237 = tpu.memref_slice %arg5[%dma_start3A_232, %dma_start3A_233, %dma_start3A_236] : memref<196x2x128xi32, #tpu.memory_space<vmem>> -> memref<1x1x128xi32, #tpu.memory_space<vmem>>
    %dma_start3A_238 = tpu.memref_squeeze %dma_start3A_237 : memref<1x1x128xi32, #tpu.memory_space<vmem>> -> memref<128xi32, #tpu.memory_space<vmem>>
    %dma_start3A_239 = arith.constant 0 : i32
    %dma_start3A_240 = tpu.memref_slice %arg8[%dma_start3A_239] : memref<100096xf32, #tpu.memory_space<vmem_shared>> -> memref<100096xf32, #tpu.memory_space<vmem_shared>>
    tpu.enqueue_indirect_dma source(%dma_start3A_235 : memref<128xf32, #tpu.memory_space<vmem>>) target(%dma_start3A_240 : memref<100096xf32, #tpu.memory_space<vmem_shared>>) offsets(%dma_start3A_238 : memref<128xi32, #tpu.memory_space<vmem>>) semaphore(%arg10 : memref<!tpu.dma_semaphore, #tpu.memory_space<semaphore_mem>>) {add = true}
    %dma_start3A_241 = arith.constant 3 : i32
    %dma_start3A_242 = arith.constant 1 : i32
    %dma_start3A_243 = arith.constant 25472 : i32
    %dma_start3A_244 = tpu.memref_slice %arg6[%dma_start3A_243] : memref<50176xf32, #tpu.memory_space<vmem>> -> memref<128xf32, #tpu.memory_space<vmem>>
    %dma_start3A_245 = arith.constant 0 : i32
    %dma_start3A_246 = tpu.memref_slice %arg5[%dma_start3A_241, %dma_start3A_242, %dma_start3A_245] : memref<196x2x128xi32, #tpu.memory_space<vmem>> -> memref<1x1x128xi32, #tpu.memory_space<vmem>>
    %dma_start3A_247 = tpu.memref_squeeze %dma_start3A_246 : memref<1x1x128xi32, #tpu.memory_space<vmem>> -> memref<128xi32, #tpu.memory_space<vmem>>
    %dma_start3A_248 = arith.constant 0 : i32
    %dma_start3A_249 = tpu.memref_slice %arg8[%dma_start3A_248] : memref<100096xf32, #tpu.memory_space<vmem_shared>> -> memref<100096xf32, #tpu.memory_space<vmem_shared>>
    tpu.enqueue_indirect_dma source(%dma_start3A_244 : memref<128xf32, #tpu.memory_space<vmem>>) target(%dma_start3A_249 : memref<100096xf32, #tpu.memory_space<vmem_shared>>) offsets(%dma_start3A_247 : memref<128xi32, #tpu.memory_space<vmem>>) semaphore(%arg10 : memref<!tpu.dma_semaphore, #tpu.memory_space<semaphore_mem>>) {add = true}
    %dma_start3A_250 = arith.constant 4 : i32
    %dma_start3A_251 = arith.constant 1 : i32
    %dma_start3A_252 = arith.constant 25600 : i32
    %dma_start3A_253 = tpu.memref_slice %arg6[%dma_start3A_252] : memref<50176xf32, #tpu.memory_space<vmem>> -> memref<128xf32, #tpu.memory_space<vmem>>
    %dma_start3A_254 = arith.constant 0 : i32
    %dma_start3A_255 = tpu.memref_slice %arg5[%dma_start3A_250, %dma_start3A_251, %dma_start3A_254] : memref<196x2x128xi32, #tpu.memory_space<vmem>> -> memref<1x1x128xi32, #tpu.memory_space<vmem>>
    %dma_start3A_256 = tpu.memref_squeeze %dma_start3A_255 : memref<1x1x128xi32, #tpu.memory_space<vmem>> -> memref<128xi32, #tpu.memory_space<vmem>>
    %dma_start3A_257 = arith.constant 0 : i32
    %dma_start3A_258 = tpu.memref_slice %arg8[%dma_start3A_257] : memref<100096xf32, #tpu.memory_space<vmem_shared>> -> memref<100096xf32, #tpu.memory_space<vmem_shared>>
    tpu.enqueue_indirect_dma source(%dma_start3A_253 : memref<128xf32, #tpu.memory_space<vmem>>) target(%dma_start3A_258 : memref<100096xf32, #tpu.memory_space<vmem_shared>>) offsets(%dma_start3A_256 : memref<128xi32, #tpu.memory_space<vmem>>) semaphore(%arg10 : memref<!tpu.dma_semaphore, #tpu.memory_space<semaphore_mem>>) {add = true}
    %dma_start3A_259 = arith.constant 5 : i32
    %dma_start3A_260 = arith.constant 1 : i32
    %dma_start3A_261 = arith.constant 25728 : i32
    %dma_start3A_262 = tpu.memref_slice %arg6[%dma_start3A_261] : memref<50176xf32, #tpu.memory_space<vmem>> -> memref<128xf32, #tpu.memory_space<vmem>>
    %dma_start3A_263 = arith.constant 0 : i32
    %dma_start3A_264 = tpu.memref_slice %arg5[%dma_start3A_259, %dma_start3A_260, %dma_start3A_263] : memref<196x2x128xi32, #tpu.memory_space<vmem>> -> memref<1x1x128xi32, #tpu.memory_space<vmem>>
    %dma_start3A_265 = tpu.memref_squeeze %dma_start3A_264 : memref<1x1x128xi32, #tpu.memory_space<vmem>> -> memref<128xi32, #tpu.memory_space<vmem>>
    %dma_start3A_266 = arith.constant 0 : i32
    %dma_start3A_267 = tpu.memref_slice %arg8[%dma_start3A_266] : memref<100096xf32, #tpu.memory_space<vmem_shared>> -> memref<100096xf32, #tpu.memory_space<vmem_shared>>
    tpu.enqueue_indirect_dma source(%dma_start3A_262 : memref<128xf32, #tpu.memory_space<vmem>>) target(%dma_start3A_267 : memref<100096xf32, #tpu.memory_space<vmem_shared>>) offsets(%dma_start3A_265 : memref<128xi32, #tpu.memory_space<vmem>>) semaphore(%arg10 : memref<!tpu.dma_semaphore, #tpu.memory_space<semaphore_mem>>) {add = true}
    %dma_start3A_268 = arith.constant 6 : i32
    %dma_start3A_269 = arith.constant 1 : i32
    %dma_start3A_270 = arith.constant 25856 : i32
    %dma_start3A_271 = tpu.memref_slice %arg6[%dma_start3A_270] : memref<50176xf32, #tpu.memory_space<vmem>> -> memref<128xf32, #tpu.memory_space<vmem>>
    %dma_start3A_272 = arith.constant 0 : i32
    %dma_start3A_273 = tpu.memref_slice %arg5[%dma_start3A_268, %dma_start3A_269, %dma_start3A_272] : memref<196x2x128xi32, #tpu.memory_space<vmem>> -> memref<1x1x128xi32, #tpu.memory_space<vmem>>
    %dma_start3A_274 = tpu.memref_squeeze %dma_start3A_273 : memref<1x1x128xi32, #tpu.memory_space<vmem>> -> memref<128xi32, #tpu.memory_space<vmem>>
    %dma_start3A_275 = arith.constant 0 : i32
    %dma_start3A_276 = tpu.memref_slice %arg8[%dma_start3A_275] : memref<100096xf32, #tpu.memory_space<vmem_shared>> -> memref<100096xf32, #tpu.memory_space<vmem_shared>>
    tpu.enqueue_indirect_dma source(%dma_start3A_271 : memref<128xf32, #tpu.memory_space<vmem>>) target(%dma_start3A_276 : memref<100096xf32, #tpu.memory_space<vmem_shared>>) offsets(%dma_start3A_274 : memref<128xi32, #tpu.memory_space<vmem>>) semaphore(%arg10 : memref<!tpu.dma_semaphore, #tpu.memory_space<semaphore_mem>>) {add = true}
    %scan3A_277 = arith.constant 0 : i32
    %scan3A_278 = arith.constant 1 : i32
    %scan3A_279 = arith.constant 27 : i32
    %scan3A_280 = arith.addi %scan3A_278, %scan3A_279 : i32
    %scan3A_281 = arith.constant 1 : i32
    scf.for %scan3A_344 = %scan3A_278 to %scan3A_280 step %scan3A_281  : i32 {
      %mul3A_345 = arith.constant 7 : i32
      %mul3A_346 = arith.muli %scan3A_344, %mul3A_345 : i32
      %add3A_347 = arith.constant 196 : i32
      %add3A_348 = arith.addi %add3A_347, %mul3A_346 : i32
      %add3A_349 = arith.constant 0 : i32
      %add3A_350 = arith.addi %add3A_348, %add3A_349 : i32
      %mul3A_351 = arith.constant 128 : i32
      %mul3A_352 = arith.muli %add3A_350, %mul3A_351 : i32
      %mul3A_353 = arith.constant 7 : i32
      %mul3A_354 = arith.muli %scan3A_344, %mul3A_353 : i32
      %add3A_355 = arith.constant 0 : i32
      %add3A_356 = arith.addi %mul3A_354, %add3A_355 : i32
      %dma_start3A_357 = arith.constant 1 : i32
      %dma_start3A_358 = tpu.memref_slice %arg6[%mul3A_352] : memref<50176xf32, #tpu.memory_space<vmem>> -> memref<128xf32, #tpu.memory_space<vmem>>
      %dma_start3A_359 = arith.constant 0 : i32
      %dma_start3A_360 = tpu.memref_slice %arg5[%add3A_356, %dma_start3A_357, %dma_start3A_359] : memref<196x2x128xi32, #tpu.memory_space<vmem>> -> memref<1x1x128xi32, #tpu.memory_space<vmem>>
      %dma_start3A_361 = tpu.memref_squeeze %dma_start3A_360 : memref<1x1x128xi32, #tpu.memory_space<vmem>> -> memref<128xi32, #tpu.memory_space<vmem>>
      %dma_start3A_362 = arith.constant 0 : i32
      %dma_start3A_363 = tpu.memref_slice %arg8[%dma_start3A_362] : memref<100096xf32, #tpu.memory_space<vmem_shared>> -> memref<100096xf32, #tpu.memory_space<vmem_shared>>
      tpu.enqueue_indirect_dma source(%dma_start3A_358 : memref<128xf32, #tpu.memory_space<vmem>>) target(%dma_start3A_363 : memref<100096xf32, #tpu.memory_space<vmem_shared>>) offsets(%dma_start3A_361 : memref<128xi32, #tpu.memory_space<vmem>>) semaphore(%arg10 : memref<!tpu.dma_semaphore, #tpu.memory_space<semaphore_mem>>) {add = true}
      %mul3A_364 = arith.constant 7 : i32
      %mul3A_365 = arith.muli %scan3A_344, %mul3A_364 : i32
      %add3A_366 = arith.constant 196 : i32
      %add3A_367 = arith.addi %add3A_366, %mul3A_365 : i32
      %add3A_368 = arith.constant 1 : i32
      %add3A_369 = arith.addi %add3A_367, %add3A_368 : i32
      %mul3A_370 = arith.constant 128 : i32
      %mul3A_371 = arith.muli %add3A_369, %mul3A_370 : i32
      %mul3A_372 = arith.constant 7 : i32
      %mul3A_373 = arith.muli %scan3A_344, %mul3A_372 : i32
      %add3A_374 = arith.constant 1 : i32
      %add3A_375 = arith.addi %mul3A_373, %add3A_374 : i32
      %dma_start3A_376 = arith.constant 1 : i32
      %dma_start3A_377 = tpu.memref_slice %arg6[%mul3A_371] : memref<50176xf32, #tpu.memory_space<vmem>> -> memref<128xf32, #tpu.memory_space<vmem>>
      %dma_start3A_378 = arith.constant 0 : i32
      %dma_start3A_379 = tpu.memref_slice %arg5[%add3A_375, %dma_start3A_376, %dma_start3A_378] : memref<196x2x128xi32, #tpu.memory_space<vmem>> -> memref<1x1x128xi32, #tpu.memory_space<vmem>>
      %dma_start3A_380 = tpu.memref_squeeze %dma_start3A_379 : memref<1x1x128xi32, #tpu.memory_space<vmem>> -> memref<128xi32, #tpu.memory_space<vmem>>
      %dma_start3A_381 = arith.constant 0 : i32
      %dma_start3A_382 = tpu.memref_slice %arg8[%dma_start3A_381] : memref<100096xf32, #tpu.memory_space<vmem_shared>> -> memref<100096xf32, #tpu.memory_space<vmem_shared>>
      tpu.enqueue_indirect_dma source(%dma_start3A_377 : memref<128xf32, #tpu.memory_space<vmem>>) target(%dma_start3A_382 : memref<100096xf32, #tpu.memory_space<vmem_shared>>) offsets(%dma_start3A_380 : memref<128xi32, #tpu.memory_space<vmem>>) semaphore(%arg10 : memref<!tpu.dma_semaphore, #tpu.memory_space<semaphore_mem>>) {add = true}
      %mul3A_383 = arith.constant 7 : i32
      %mul3A_384 = arith.muli %scan3A_344, %mul3A_383 : i32
      %add3A_385 = arith.constant 196 : i32
      %add3A_386 = arith.addi %add3A_385, %mul3A_384 : i32
      %add3A_387 = arith.constant 2 : i32
      %add3A_388 = arith.addi %add3A_386, %add3A_387 : i32
      %mul3A_389 = arith.constant 128 : i32
      %mul3A_390 = arith.muli %add3A_388, %mul3A_389 : i32
      %mul3A_391 = arith.constant 7 : i32
      %mul3A_392 = arith.muli %scan3A_344, %mul3A_391 : i32
      %add3A_393 = arith.constant 2 : i32
      %add3A_394 = arith.addi %mul3A_392, %add3A_393 : i32
      %dma_start3A_395 = arith.constant 1 : i32
      %dma_start3A_396 = tpu.memref_slice %arg6[%mul3A_390] : memref<50176xf32, #tpu.memory_space<vmem>> -> memref<128xf32, #tpu.memory_space<vmem>>
      %dma_start3A_397 = arith.constant 0 : i32
      %dma_start3A_398 = tpu.memref_slice %arg5[%add3A_394, %dma_start3A_395, %dma_start3A_397] : memref<196x2x128xi32, #tpu.memory_space<vmem>> -> memref<1x1x128xi32, #tpu.memory_space<vmem>>
      %dma_start3A_399 = tpu.memref_squeeze %dma_start3A_398 : memref<1x1x128xi32, #tpu.memory_space<vmem>> -> memref<128xi32, #tpu.memory_space<vmem>>
      %dma_start3A_400 = arith.constant 0 : i32
      %dma_start3A_401 = tpu.memref_slice %arg8[%dma_start3A_400] : memref<100096xf32, #tpu.memory_space<vmem_shared>> -> memref<100096xf32, #tpu.memory_space<vmem_shared>>
      tpu.enqueue_indirect_dma source(%dma_start3A_396 : memref<128xf32, #tpu.memory_space<vmem>>) target(%dma_start3A_401 : memref<100096xf32, #tpu.memory_space<vmem_shared>>) offsets(%dma_start3A_399 : memref<128xi32, #tpu.memory_space<vmem>>) semaphore(%arg10 : memref<!tpu.dma_semaphore, #tpu.memory_space<semaphore_mem>>) {add = true}
      %mul3A_402 = arith.constant 7 : i32
      %mul3A_403 = arith.muli %scan3A_344, %mul3A_402 : i32
      %add3A_404 = arith.constant 196 : i32
      %add3A_405 = arith.addi %add3A_404, %mul3A_403 : i32
      %add3A_406 = arith.constant 3 : i32
      %add3A_407 = arith.addi %add3A_405, %add3A_406 : i32
      %mul3A_408 = arith.constant 128 : i32
      %mul3A_409 = arith.muli %add3A_407, %mul3A_408 : i32
      %mul3A_410 = arith.constant 7 : i32
      %mul3A_411 = arith.muli %scan3A_344, %mul3A_410 : i32
      %add3A_412 = arith.constant 3 : i32
      %add3A_413 = arith.addi %mul3A_411, %add3A_412 : i32
      %dma_start3A_414 = arith.constant 1 : i32
      %dma_start3A_415 = tpu.memref_slice %arg6[%mul3A_409] : memref<50176xf32, #tpu.memory_space<vmem>> -> memref<128xf32, #tpu.memory_space<vmem>>
      %dma_start3A_416 = arith.constant 0 : i32
      %dma_start3A_417 = tpu.memref_slice %arg5[%add3A_413, %dma_start3A_414, %dma_start3A_416] : memref<196x2x128xi32, #tpu.memory_space<vmem>> -> memref<1x1x128xi32, #tpu.memory_space<vmem>>
      %dma_start3A_418 = tpu.memref_squeeze %dma_start3A_417 : memref<1x1x128xi32, #tpu.memory_space<vmem>> -> memref<128xi32, #tpu.memory_space<vmem>>
      %dma_start3A_419 = arith.constant 0 : i32
      %dma_start3A_420 = tpu.memref_slice %arg8[%dma_start3A_419] : memref<100096xf32, #tpu.memory_space<vmem_shared>> -> memref<100096xf32, #tpu.memory_space<vmem_shared>>
      tpu.enqueue_indirect_dma source(%dma_start3A_415 : memref<128xf32, #tpu.memory_space<vmem>>) target(%dma_start3A_420 : memref<100096xf32, #tpu.memory_space<vmem_shared>>) offsets(%dma_start3A_418 : memref<128xi32, #tpu.memory_space<vmem>>) semaphore(%arg10 : memref<!tpu.dma_semaphore, #tpu.memory_space<semaphore_mem>>) {add = true}
      %mul3A_421 = arith.constant 7 : i32
      %mul3A_422 = arith.muli %scan3A_344, %mul3A_421 : i32
      %add3A_423 = arith.constant 196 : i32
      %add3A_424 = arith.addi %add3A_423, %mul3A_422 : i32
      %add3A_425 = arith.constant 4 : i32
      %add3A_426 = arith.addi %add3A_424, %add3A_425 : i32
      %mul3A_427 = arith.constant 128 : i32
      %mul3A_428 = arith.muli %add3A_426, %mul3A_427 : i32
      %mul3A_429 = arith.constant 7 : i32
      %mul3A_430 = arith.muli %scan3A_344, %mul3A_429 : i32
      %add3A_431 = arith.constant 4 : i32
      %add3A_432 = arith.addi %mul3A_430, %add3A_431 : i32
      %dma_start3A_433 = arith.constant 1 : i32
      %dma_start3A_434 = tpu.memref_slice %arg6[%mul3A_428] : memref<50176xf32, #tpu.memory_space<vmem>> -> memref<128xf32, #tpu.memory_space<vmem>>
      %dma_start3A_435 = arith.constant 0 : i32
      %dma_start3A_436 = tpu.memref_slice %arg5[%add3A_432, %dma_start3A_433, %dma_start3A_435] : memref<196x2x128xi32, #tpu.memory_space<vmem>> -> memref<1x1x128xi32, #tpu.memory_space<vmem>>
      %dma_start3A_437 = tpu.memref_squeeze %dma_start3A_436 : memref<1x1x128xi32, #tpu.memory_space<vmem>> -> memref<128xi32, #tpu.memory_space<vmem>>
      %dma_start3A_438 = arith.constant 0 : i32
      %dma_start3A_439 = tpu.memref_slice %arg8[%dma_start3A_438] : memref<100096xf32, #tpu.memory_space<vmem_shared>> -> memref<100096xf32, #tpu.memory_space<vmem_shared>>
      tpu.enqueue_indirect_dma source(%dma_start3A_434 : memref<128xf32, #tpu.memory_space<vmem>>) target(%dma_start3A_439 : memref<100096xf32, #tpu.memory_space<vmem_shared>>) offsets(%dma_start3A_437 : memref<128xi32, #tpu.memory_space<vmem>>) semaphore(%arg10 : memref<!tpu.dma_semaphore, #tpu.memory_space<semaphore_mem>>) {add = true}
      %mul3A_440 = arith.constant 7 : i32
      %mul3A_441 = arith.muli %scan3A_344, %mul3A_440 : i32
      %add3A_442 = arith.constant 196 : i32
      %add3A_443 = arith.addi %add3A_442, %mul3A_441 : i32
      %add3A_444 = arith.constant 5 : i32
      %add3A_445 = arith.addi %add3A_443, %add3A_444 : i32
      %mul3A_446 = arith.constant 128 : i32
      %mul3A_447 = arith.muli %add3A_445, %mul3A_446 : i32
      %mul3A_448 = arith.constant 7 : i32
      %mul3A_449 = arith.muli %scan3A_344, %mul3A_448 : i32
      %add3A_450 = arith.constant 5 : i32
      %add3A_451 = arith.addi %mul3A_449, %add3A_450 : i32
      %dma_start3A_452 = arith.constant 1 : i32
      %dma_start3A_453 = tpu.memref_slice %arg6[%mul3A_447] : memref<50176xf32, #tpu.memory_space<vmem>> -> memref<128xf32, #tpu.memory_space<vmem>>
      %dma_start3A_454 = arith.constant 0 : i32
      %dma_start3A_455 = tpu.memref_slice %arg5[%add3A_451, %dma_start3A_452, %dma_start3A_454] : memref<196x2x128xi32, #tpu.memory_space<vmem>> -> memref<1x1x128xi32, #tpu.memory_space<vmem>>
      %dma_start3A_456 = tpu.memref_squeeze %dma_start3A_455 : memref<1x1x128xi32, #tpu.memory_space<vmem>> -> memref<128xi32, #tpu.memory_space<vmem>>
      %dma_start3A_457 = arith.constant 0 : i32
      %dma_start3A_458 = tpu.memref_slice %arg8[%dma_start3A_457] : memref<100096xf32, #tpu.memory_space<vmem_shared>> -> memref<100096xf32, #tpu.memory_space<vmem_shared>>
      tpu.enqueue_indirect_dma source(%dma_start3A_453 : memref<128xf32, #tpu.memory_space<vmem>>) target(%dma_start3A_458 : memref<100096xf32, #tpu.memory_space<vmem_shared>>) offsets(%dma_start3A_456 : memref<128xi32, #tpu.memory_space<vmem>>) semaphore(%arg10 : memref<!tpu.dma_semaphore, #tpu.memory_space<semaphore_mem>>) {add = true}
      %mul3A_459 = arith.constant 7 : i32
      %mul3A_460 = arith.muli %scan3A_344, %mul3A_459 : i32
      %add3A_461 = arith.constant 196 : i32
      %add3A_462 = arith.addi %add3A_461, %mul3A_460 : i32
      %add3A_463 = arith.constant 6 : i32
      %add3A_464 = arith.addi %add3A_462, %add3A_463 : i32
      %mul3A_465 = arith.constant 128 : i32
      %mul3A_466 = arith.muli %add3A_464, %mul3A_465 : i32
      %mul3A_467 = arith.constant 7 : i32
      %mul3A_468 = arith.muli %scan3A_344, %mul3A_467 : i32
      %add3A_469 = arith.constant 6 : i32
      %add3A_470 = arith.addi %mul3A_468, %add3A_469 : i32
      %dma_start3A_471 = arith.constant 1 : i32
      %dma_start3A_472 = tpu.memref_slice %arg6[%mul3A_466] : memref<50176xf32, #tpu.memory_space<vmem>> -> memref<128xf32, #tpu.memory_space<vmem>>
      %dma_start3A_473 = arith.constant 0 : i32
      %dma_start3A_474 = tpu.memref_slice %arg5[%add3A_470, %dma_start3A_471, %dma_start3A_473] : memref<196x2x128xi32, #tpu.memory_space<vmem>> -> memref<1x1x128xi32, #tpu.memory_space<vmem>>
      %dma_start3A_475 = tpu.memref_squeeze %dma_start3A_474 : memref<1x1x128xi32, #tpu.memory_space<vmem>> -> memref<128xi32, #tpu.memory_space<vmem>>
      %dma_start3A_476 = arith.constant 0 : i32
      %dma_start3A_477 = tpu.memref_slice %arg8[%dma_start3A_476] : memref<100096xf32, #tpu.memory_space<vmem_shared>> -> memref<100096xf32, #tpu.memory_space<vmem_shared>>
      tpu.enqueue_indirect_dma source(%dma_start3A_472 : memref<128xf32, #tpu.memory_space<vmem>>) target(%dma_start3A_477 : memref<100096xf32, #tpu.memory_space<vmem_shared>>) offsets(%dma_start3A_475 : memref<128xi32, #tpu.memory_space<vmem>>) semaphore(%arg10 : memref<!tpu.dma_semaphore, #tpu.memory_space<semaphore_mem>>) {add = true}
      %dma_wait3A_478 = arith.constant 0 : i32
      %dma_wait3A_479 = tpu.memref_slice %arg6[%dma_wait3A_478] : memref<50176xf32, #tpu.memory_space<vmem>> -> memref<128xf32, #tpu.memory_space<vmem>>
      %dma_wait3A_480 = arith.constant 0 : i32
      %dma_wait3A_481 = tpu.memref_slice %arg3[%dma_wait3A_480] : memref<1600000xf32, #tpu.memory_space<hbm>> -> memref<128xf32, #tpu.memory_space<hbm>>
      %dma_wait3A_482 = arith.constant 0 : i32
      %dma_wait3A_483 = tpu.memref_slice %arg6[%dma_wait3A_482] : memref<50176xf32, #tpu.memory_space<vmem>> -> memref<128xf32, #tpu.memory_space<vmem>>
      %dma_wait3A_484 = arith.constant 0 : i32
      %dma_wait3A_485 = tpu.memref_slice %arg3[%dma_wait3A_484] : memref<1600000xf32, #tpu.memory_space<hbm>> -> memref<128xf32, #tpu.memory_space<hbm>>
      tpu.wait_dma2 semaphore(%arg10 : memref<!tpu.dma_semaphore, #tpu.memory_space<semaphore_mem>>) src(%dma_wait3A_485 : memref<128xf32, #tpu.memory_space<hbm>>) dst(%dma_wait3A_483 : memref<128xf32, #tpu.memory_space<vmem>>)
      %dma_wait3A_486 = arith.constant 0 : i32
      %dma_wait3A_487 = tpu.memref_slice %arg6[%dma_wait3A_486] : memref<50176xf32, #tpu.memory_space<vmem>> -> memref<128xf32, #tpu.memory_space<vmem>>
      %dma_wait3A_488 = arith.constant 0 : i32
      %dma_wait3A_489 = tpu.memref_slice %arg3[%dma_wait3A_488] : memref<1600000xf32, #tpu.memory_space<hbm>> -> memref<128xf32, #tpu.memory_space<hbm>>
      %dma_wait3A_490 = arith.constant 0 : i32
      %dma_wait3A_491 = tpu.memref_slice %arg6[%dma_wait3A_490] : memref<50176xf32, #tpu.memory_space<vmem>> -> memref<128xf32, #tpu.memory_space<vmem>>
      %dma_wait3A_492 = arith.constant 0 : i32
      %dma_wait3A_493 = tpu.memref_slice %arg3[%dma_wait3A_492] : memref<1600000xf32, #tpu.memory_space<hbm>> -> memref<128xf32, #tpu.memory_space<hbm>>
      tpu.wait_dma2 semaphore(%arg10 : memref<!tpu.dma_semaphore, #tpu.memory_space<semaphore_mem>>) src(%dma_wait3A_493 : memref<128xf32, #tpu.memory_space<hbm>>) dst(%dma_wait3A_491 : memref<128xf32, #tpu.memory_space<vmem>>)
      %dma_wait3A_494 = arith.constant 0 : i32
      %dma_wait3A_495 = tpu.memref_slice %arg6[%dma_wait3A_494] : memref<50176xf32, #tpu.memory_space<vmem>> -> memref<128xf32, #tpu.memory_space<vmem>>
      %dma_wait3A_496 = arith.constant 0 : i32
      %dma_wait3A_497 = tpu.memref_slice %arg3[%dma_wait3A_496] : memref<1600000xf32, #tpu.memory_space<hbm>> -> memref<128xf32, #tpu.memory_space<hbm>>
      %dma_wait3A_498 = arith.constant 0 : i32
      %dma_wait3A_499 = tpu.memref_slice %arg6[%dma_wait3A_498] : memref<50176xf32, #tpu.memory_space<vmem>> -> memref<128xf32, #tpu.memory_space<vmem>>
      %dma_wait3A_500 = arith.constant 0 : i32
      %dma_wait3A_501 = tpu.memref_slice %arg3[%dma_wait3A_500] : memref<1600000xf32, #tpu.memory_space<hbm>> -> memref<128xf32, #tpu.memory_space<hbm>>
      tpu.wait_dma2 semaphore(%arg10 : memref<!tpu.dma_semaphore, #tpu.memory_space<semaphore_mem>>) src(%dma_wait3A_501 : memref<128xf32, #tpu.memory_space<hbm>>) dst(%dma_wait3A_499 : memref<128xf32, #tpu.memory_space<vmem>>)
      %dma_wait3A_502 = arith.constant 0 : i32
      %dma_wait3A_503 = tpu.memref_slice %arg6[%dma_wait3A_502] : memref<50176xf32, #tpu.memory_space<vmem>> -> memref<128xf32, #tpu.memory_space<vmem>>
      %dma_wait3A_504 = arith.constant 0 : i32
      %dma_wait3A_505 = tpu.memref_slice %arg3[%dma_wait3A_504] : memref<1600000xf32, #tpu.memory_space<hbm>> -> memref<128xf32, #tpu.memory_space<hbm>>
      %dma_wait3A_506 = arith.constant 0 : i32
      %dma_wait3A_507 = tpu.memref_slice %arg6[%dma_wait3A_506] : memref<50176xf32, #tpu.memory_space<vmem>> -> memref<128xf32, #tpu.memory_space<vmem>>
      %dma_wait3A_508 = arith.constant 0 : i32
      %dma_wait3A_509 = tpu.memref_slice %arg3[%dma_wait3A_508] : memref<1600000xf32, #tpu.memory_space<hbm>> -> memref<128xf32, #tpu.memory_space<hbm>>
      tpu.wait_dma2 semaphore(%arg10 : memref<!tpu.dma_semaphore, #tpu.memory_space<semaphore_mem>>) src(%dma_wait3A_509 : memref<128xf32, #tpu.memory_space<hbm>>) dst(%dma_wait3A_507 : memref<128xf32, #tpu.memory_space<vmem>>)
      %dma_wait3A_510 = arith.constant 0 : i32
      %dma_wait3A_511 = tpu.memref_slice %arg6[%dma_wait3A_510] : memref<50176xf32, #tpu.memory_space<vmem>> -> memref<128xf32, #tpu.memory_space<vmem>>
      %dma_wait3A_512 = arith.constant 0 : i32
      %dma_wait3A_513 = tpu.memref_slice %arg3[%dma_wait3A_512] : memref<1600000xf32, #tpu.memory_space<hbm>> -> memref<128xf32, #tpu.memory_space<hbm>>
      %dma_wait3A_514 = arith.constant 0 : i32
      %dma_wait3A_515 = tpu.memref_slice %arg6[%dma_wait3A_514] : memref<50176xf32, #tpu.memory_space<vmem>> -> memref<128xf32, #tpu.memory_space<vmem>>
      %dma_wait3A_516 = arith.constant 0 : i32
      %dma_wait3A_517 = tpu.memref_slice %arg3[%dma_wait3A_516] : memref<1600000xf32, #tpu.memory_space<hbm>> -> memref<128xf32, #tpu.memory_space<hbm>>
      tpu.wait_dma2 semaphore(%arg10 : memref<!tpu.dma_semaphore, #tpu.memory_space<semaphore_mem>>) src(%dma_wait3A_517 : memref<128xf32, #tpu.memory_space<hbm>>) dst(%dma_wait3A_515 : memref<128xf32, #tpu.memory_space<vmem>>)
      %dma_wait3A_518 = arith.constant 0 : i32
      %dma_wait3A_519 = tpu.memref_slice %arg6[%dma_wait3A_518] : memref<50176xf32, #tpu.memory_space<vmem>> -> memref<128xf32, #tpu.memory_space<vmem>>
      %dma_wait3A_520 = arith.constant 0 : i32
      %dma_wait3A_521 = tpu.memref_slice %arg3[%dma_wait3A_520] : memref<1600000xf32, #tpu.memory_space<hbm>> -> memref<128xf32, #tpu.memory_space<hbm>>
      %dma_wait3A_522 = arith.constant 0 : i32
      %dma_wait3A_523 = tpu.memref_slice %arg6[%dma_wait3A_522] : memref<50176xf32, #tpu.memory_space<vmem>> -> memref<128xf32, #tpu.memory_space<vmem>>
      %dma_wait3A_524 = arith.constant 0 : i32
      %dma_wait3A_525 = tpu.memref_slice %arg3[%dma_wait3A_524] : memref<1600000xf32, #tpu.memory_space<hbm>> -> memref<128xf32, #tpu.memory_space<hbm>>
      tpu.wait_dma2 semaphore(%arg10 : memref<!tpu.dma_semaphore, #tpu.memory_space<semaphore_mem>>) src(%dma_wait3A_525 : memref<128xf32, #tpu.memory_space<hbm>>) dst(%dma_wait3A_523 : memref<128xf32, #tpu.memory_space<vmem>>)
      %dma_wait3A_526 = arith.constant 0 : i32
      %dma_wait3A_527 = tpu.memref_slice %arg6[%dma_wait3A_526] : memref<50176xf32, #tpu.memory_space<vmem>> -> memref<128xf32, #tpu.memory_space<vmem>>
      %dma_wait3A_528 = arith.constant 0 : i32
      %dma_wait3A_529 = tpu.memref_slice %arg3[%dma_wait3A_528] : memref<1600000xf32, #tpu.memory_space<hbm>> -> memref<128xf32, #tpu.memory_space<hbm>>
      %dma_wait3A_530 = arith.constant 0 : i32
      %dma_wait3A_531 = tpu.memref_slice %arg6[%dma_wait3A_530] : memref<50176xf32, #tpu.memory_space<vmem>> -> memref<128xf32, #tpu.memory_space<vmem>>
      %dma_wait3A_532 = arith.constant 0 : i32
      %dma_wait3A_533 = tpu.memref_slice %arg3[%dma_wait3A_532] : memref<1600000xf32, #tpu.memory_space<hbm>> -> memref<128xf32, #tpu.memory_space<hbm>>
      tpu.wait_dma2 semaphore(%arg10 : memref<!tpu.dma_semaphore, #tpu.memory_space<semaphore_mem>>) src(%dma_wait3A_533 : memref<128xf32, #tpu.memory_space<hbm>>) dst(%dma_wait3A_531 : memref<128xf32, #tpu.memory_space<vmem>>)
    }
    %scan3A_282 = arith.constant 27 : i32
    %dma_wait3A_283 = arith.constant 0 : i32
    %dma_wait3A_284 = tpu.memref_slice %arg6[%dma_wait3A_283] : memref<50176xf32, #tpu.memory_space<vmem>> -> memref<128xf32, #tpu.memory_space<vmem>>
    %dma_wait3A_285 = arith.constant 0 : i32
    %dma_wait3A_286 = tpu.memref_slice %arg3[%dma_wait3A_285] : memref<1600000xf32, #tpu.memory_space<hbm>> -> memref<128xf32, #tpu.memory_space<hbm>>
    %dma_wait3A_287 = arith.constant 0 : i32
    %dma_wait3A_288 = tpu.memref_slice %arg6[%dma_wait3A_287] : memref<50176xf32, #tpu.memory_space<vmem>> -> memref<128xf32, #tpu.memory_space<vmem>>
    %dma_wait3A_289 = arith.constant 0 : i32
    %dma_wait3A_290 = tpu.memref_slice %arg3[%dma_wait3A_289] : memref<1600000xf32, #tpu.memory_space<hbm>> -> memref<128xf32, #tpu.memory_space<hbm>>
    tpu.wait_dma2 semaphore(%arg10 : memref<!tpu.dma_semaphore, #tpu.memory_space<semaphore_mem>>) src(%dma_wait3A_290 : memref<128xf32, #tpu.memory_space<hbm>>) dst(%dma_wait3A_288 : memref<128xf32, #tpu.memory_space<vmem>>)
    %dma_wait3A_291 = arith.constant 0 : i32
    %dma_wait3A_292 = tpu.memref_slice %arg6[%dma_wait3A_291] : memref<50176xf32, #tpu.memory_space<vmem>> -> memref<128xf32, #tpu.memory_space<vmem>>
    %dma_wait3A_293 = arith.constant 0 : i32
    %dma_wait3A_294 = tpu.memref_slice %arg3[%dma_wait3A_293] : memref<1600000xf32, #tpu.memory_space<hbm>> -> memref<128xf32, #tpu.memory_space<hbm>>
    %dma_wait3A_295 = arith.constant 0 : i32
    %dma_wait3A_296 = tpu.memref_slice %arg6[%dma_wait3A_295] : memref<50176xf32, #tpu.memory_space<vmem>> -> memref<128xf32, #tpu.memory_space<vmem>>
    %dma_wait3A_297 = arith.constant 0 : i32
    %dma_wait3A_298 = tpu.memref_slice %arg3[%dma_wait3A_297] : memref<1600000xf32, #tpu.memory_space<hbm>> -> memref<128xf32, #tpu.memory_space<hbm>>
    tpu.wait_dma2 semaphore(%arg10 : memref<!tpu.dma_semaphore, #tpu.memory_space<semaphore_mem>>) src(%dma_wait3A_298 : memref<128xf32, #tpu.memory_space<hbm>>) dst(%dma_wait3A_296 : memref<128xf32, #tpu.memory_space<vmem>>)
    %dma_wait3A_299 = arith.constant 0 : i32
    %dma_wait3A_300 = tpu.memref_slice %arg6[%dma_wait3A_299] : memref<50176xf32, #tpu.memory_space<vmem>> -> memref<128xf32, #tpu.memory_space<vmem>>
    %dma_wait3A_301 = arith.constant 0 : i32
    %dma_wait3A_302 = tpu.memref_slice %arg3[%dma_wait3A_301] : memref<1600000xf32, #tpu.memory_space<hbm>> -> memref<128xf32, #tpu.memory_space<hbm>>
    %dma_wait3A_303 = arith.constant 0 : i32
    %dma_wait3A_304 = tpu.memref_slice %arg6[%dma_wait3A_303] : memref<50176xf32, #tpu.memory_space<vmem>> -> memref<128xf32, #tpu.memory_space<vmem>>
    %dma_wait3A_305 = arith.constant 0 : i32
    %dma_wait3A_306 = tpu.memref_slice %arg3[%dma_wait3A_305] : memref<1600000xf32, #tpu.memory_space<hbm>> -> memref<128xf32, #tpu.memory_space<hbm>>
    tpu.wait_dma2 semaphore(%arg10 : memref<!tpu.dma_semaphore, #tpu.memory_space<semaphore_mem>>) src(%dma_wait3A_306 : memref<128xf32, #tpu.memory_space<hbm>>) dst(%dma_wait3A_304 : memref<128xf32, #tpu.memory_space<vmem>>)
    %dma_wait3A_307 = arith.constant 0 : i32
    %dma_wait3A_308 = tpu.memref_slice %arg6[%dma_wait3A_307] : memref<50176xf32, #tpu.memory_space<vmem>> -> memref<128xf32, #tpu.memory_space<vmem>>
    %dma_wait3A_309 = arith.constant 0 : i32
    %dma_wait3A_310 = tpu.memref_slice %arg3[%dma_wait3A_309] : memref<1600000xf32, #tpu.memory_space<hbm>> -> memref<128xf32, #tpu.memory_space<hbm>>
    %dma_wait3A_311 = arith.constant 0 : i32
    %dma_wait3A_312 = tpu.memref_slice %arg6[%dma_wait3A_311] : memref<50176xf32, #tpu.memory_space<vmem>> -> memref<128xf32, #tpu.memory_space<vmem>>
    %dma_wait3A_313 = arith.constant 0 : i32
    %dma_wait3A_314 = tpu.memref_slice %arg3[%dma_wait3A_313] : memref<1600000xf32, #tpu.memory_space<hbm>> -> memref<128xf32, #tpu.memory_space<hbm>>
    tpu.wait_dma2 semaphore(%arg10 : memref<!tpu.dma_semaphore, #tpu.memory_space<semaphore_mem>>) src(%dma_wait3A_314 : memref<128xf32, #tpu.memory_space<hbm>>) dst(%dma_wait3A_312 : memref<128xf32, #tpu.memory_space<vmem>>)
    %dma_wait3A_315 = arith.constant 0 : i32
    %dma_wait3A_316 = tpu.memref_slice %arg6[%dma_wait3A_315] : memref<50176xf32, #tpu.memory_space<vmem>> -> memref<128xf32, #tpu.memory_space<vmem>>
    %dma_wait3A_317 = arith.constant 0 : i32
    %dma_wait3A_318 = tpu.memref_slice %arg3[%dma_wait3A_317] : memref<1600000xf32, #tpu.memory_space<hbm>> -> memref<128xf32, #tpu.memory_space<hbm>>
    %dma_wait3A_319 = arith.constant 0 : i32
    %dma_wait3A_320 = tpu.memref_slice %arg6[%dma_wait3A_319] : memref<50176xf32, #tpu.memory_space<vmem>> -> memref<128xf32, #tpu.memory_space<vmem>>
    %dma_wait3A_321 = arith.constant 0 : i32
    %dma_wait3A_322 = tpu.memref_slice %arg3[%dma_wait3A_321] : memref<1600000xf32, #tpu.memory_space<hbm>> -> memref<128xf32, #tpu.memory_space<hbm>>
    tpu.wait_dma2 semaphore(%arg10 : memref<!tpu.dma_semaphore, #tpu.memory_space<semaphore_mem>>) src(%dma_wait3A_322 : memref<128xf32, #tpu.memory_space<hbm>>) dst(%dma_wait3A_320 : memref<128xf32, #tpu.memory_space<vmem>>)
    %dma_wait3A_323 = arith.constant 0 : i32
    %dma_wait3A_324 = tpu.memref_slice %arg6[%dma_wait3A_323] : memref<50176xf32, #tpu.memory_space<vmem>> -> memref<128xf32, #tpu.memory_space<vmem>>
    %dma_wait3A_325 = arith.constant 0 : i32
    %dma_wait3A_326 = tpu.memref_slice %arg3[%dma_wait3A_325] : memref<1600000xf32, #tpu.memory_space<hbm>> -> memref<128xf32, #tpu.memory_space<hbm>>
    %dma_wait3A_327 = arith.constant 0 : i32
    %dma_wait3A_328 = tpu.memref_slice %arg6[%dma_wait3A_327] : memref<50176xf32, #tpu.memory_space<vmem>> -> memref<128xf32, #tpu.memory_space<vmem>>
    %dma_wait3A_329 = arith.constant 0 : i32
    %dma_wait3A_330 = tpu.memref_slice %arg3[%dma_wait3A_329] : memref<1600000xf32, #tpu.memory_space<hbm>> -> memref<128xf32, #tpu.memory_space<hbm>>
    tpu.wait_dma2 semaphore(%arg10 : memref<!tpu.dma_semaphore, #tpu.memory_space<semaphore_mem>>) src(%dma_wait3A_330 : memref<128xf32, #tpu.memory_space<hbm>>) dst(%dma_wait3A_328 : memref<128xf32, #tpu.memory_space<vmem>>)
    %dma_wait3A_331 = arith.constant 0 : i32
    %dma_wait3A_332 = tpu.memref_slice %arg6[%dma_wait3A_331] : memref<50176xf32, #tpu.memory_space<vmem>> -> memref<128xf32, #tpu.memory_space<vmem>>
    %dma_wait3A_333 = arith.constant 0 : i32
    %dma_wait3A_334 = tpu.memref_slice %arg3[%dma_wait3A_333] : memref<1600000xf32, #tpu.memory_space<hbm>> -> memref<128xf32, #tpu.memory_space<hbm>>
    %dma_wait3A_335 = arith.constant 0 : i32
    %dma_wait3A_336 = tpu.memref_slice %arg6[%dma_wait3A_335] : memref<50176xf32, #tpu.memory_space<vmem>> -> memref<128xf32, #tpu.memory_space<vmem>>
    %dma_wait3A_337 = arith.constant 0 : i32
    %dma_wait3A_338 = tpu.memref_slice %arg3[%dma_wait3A_337] : memref<1600000xf32, #tpu.memory_space<hbm>> -> memref<128xf32, #tpu.memory_space<hbm>>
    tpu.wait_dma2 semaphore(%arg10 : memref<!tpu.dma_semaphore, #tpu.memory_space<semaphore_mem>>) src(%dma_wait3A_338 : memref<128xf32, #tpu.memory_space<hbm>>) dst(%dma_wait3A_336 : memref<128xf32, #tpu.memory_space<vmem>>)
    %barrier3A_339 = arith.constant 0 : index
    tpu.barrier barrier_id(%barrier3A_339)
    %mul3A_340 = arith.constant 6256 : i32
    %mul3A_341 = arith.muli %arg1, %mul3A_340 : i32
    "tpu.region"() ({
      %run_scoped3A = tpu.sem_alloc : memref<!tpu.dma_semaphore, #tpu.memory_space<semaphore_mem>>
      %dma_start3A_344 = tpu.memref_slice %arg8[%mul3A_341] : memref<100096xf32, #tpu.memory_space<vmem_shared>> -> memref<6256xf32, #tpu.memory_space<vmem_shared>>
      %dma_start3A_345 = tpu.memref_slice %arg8[%mul3A_341] : memref<100096xf32, #tpu.memory_space<vmem_shared>> -> memref<6256xf32, #tpu.memory_space<vmem_shared>>
      tpu.enqueue_dma source(%dma_start3A_345 : memref<6256xf32, #tpu.memory_space<vmem_shared>>) target(%arg7 : memref<6256xf32, #tpu.memory_space<vmem>>) target_semaphore(%run_scoped3A : memref<!tpu.dma_semaphore, #tpu.memory_space<semaphore_mem>>)
      %dma_wait3A_346 = tpu.memref_slice %arg8[%mul3A_341] : memref<100096xf32, #tpu.memory_space<vmem_shared>> -> memref<6256xf32, #tpu.memory_space<vmem_shared>>
      %dma_wait3A_347 = tpu.memref_slice %arg8[%mul3A_341] : memref<100096xf32, #tpu.memory_space<vmem_shared>> -> memref<6256xf32, #tpu.memory_space<vmem_shared>>
      tpu.wait_dma2 semaphore(%run_scoped3A : memref<!tpu.dma_semaphore, #tpu.memory_space<semaphore_mem>>) src(%dma_wait3A_347 : memref<6256xf32, #tpu.memory_space<vmem_shared>>) dst(%arg7 : memref<6256xf32, #tpu.memory_space<vmem>>)
      tpu.yield
    }) : () -> ()
    %mul3A_342 = arith.constant 6256 : i32
    %mul3A_343 = arith.muli %arg1, %mul3A_342 : i32
    "tpu.region"() ({
      %run_scoped3A = tpu.sem_alloc : memref<!tpu.dma_semaphore, #tpu.memory_space<semaphore_mem>>
      %dma_start3A_344 = arith.constant 0 : i32
      %dma_start3A_345 = tpu.memref_slice %arg4[%arg0, %dma_start3A_344] : memref<2x100096xf32, #tpu.memory_space<hbm>> -> memref<1x100096xf32, #tpu.memory_space<hbm>>
      %dma_start3A_346 = tpu.memref_squeeze %dma_start3A_345 : memref<1x100096xf32, #tpu.memory_space<hbm>> -> memref<100096xf32, #tpu.memory_space<hbm>>
      %dma_start3A_347 = tpu.memref_slice %dma_start3A_346[%mul3A_343] : memref<100096xf32, #tpu.memory_space<hbm>> -> memref<6256xf32, #tpu.memory_space<hbm>>
      %dma_start3A_348 = arith.constant 0 : i32
      %dma_start3A_349 = tpu.memref_slice %arg4[%arg0, %dma_start3A_348] : memref<2x100096xf32, #tpu.memory_space<hbm>> -> memref<1x100096xf32, #tpu.memory_space<hbm>>
      %dma_start3A_350 = tpu.memref_squeeze %dma_start3A_349 : memref<1x100096xf32, #tpu.memory_space<hbm>> -> memref<100096xf32, #tpu.memory_space<hbm>>
      %dma_start3A_351 = tpu.memref_slice %dma_start3A_350[%mul3A_343] : memref<100096xf32, #tpu.memory_space<hbm>> -> memref<6256xf32, #tpu.memory_space<hbm>>
      tpu.enqueue_dma source(%arg7 : memref<6256xf32, #tpu.memory_space<vmem>>) target(%dma_start3A_351 : memref<6256xf32, #tpu.memory_space<hbm>>) target_semaphore(%run_scoped3A : memref<!tpu.dma_semaphore, #tpu.memory_space<semaphore_mem>>)
      %dma_wait3A_352 = arith.constant 0 : i32
      %dma_wait3A_353 = tpu.memref_slice %arg4[%arg0, %dma_wait3A_352] : memref<2x100096xf32, #tpu.memory_space<hbm>> -> memref<1x100096xf32, #tpu.memory_space<hbm>>
      %dma_wait3A_354 = tpu.memref_squeeze %dma_wait3A_353 : memref<1x100096xf32, #tpu.memory_space<hbm>> -> memref<100096xf32, #tpu.memory_space<hbm>>
      %dma_wait3A_355 = tpu.memref_slice %dma_wait3A_354[%mul3A_343] : memref<100096xf32, #tpu.memory_space<hbm>> -> memref<6256xf32, #tpu.memory_space<hbm>>
      %dma_wait3A_356 = arith.constant 0 : i32
      %dma_wait3A_357 = tpu.memref_slice %arg4[%arg0, %dma_wait3A_356] : memref<2x100096xf32, #tpu.memory_space<hbm>> -> memref<1x100096xf32, #tpu.memory_space<hbm>>
      %dma_wait3A_358 = tpu.memref_squeeze %dma_wait3A_357 : memref<1x100096xf32, #tpu.memory_space<hbm>> -> memref<100096xf32, #tpu.memory_space<hbm>>
      %dma_wait3A_359 = tpu.memref_slice %dma_wait3A_358[%mul3A_343] : memref<100096xf32, #tpu.memory_space<hbm>> -> memref<6256xf32, #tpu.memory_space<hbm>>
      tpu.wait_dma2 semaphore(%run_scoped3A : memref<!tpu.dma_semaphore, #tpu.memory_space<semaphore_mem>>) src(%arg7 : memref<6256xf32, #tpu.memory_space<vmem>>) dst(%dma_wait3A_359 : memref<6256xf32, #tpu.memory_space<hbm>>)
      tpu.yield
    }) : () -> ()
    return
  }
}

module attributes {stable_mosaic.version = 14 : i64} {
  func.func @_mlp_a_body(%arg0: i32, %arg1: memref<8192x128xf32, #tpu.memory_space<vmem>>, %arg2: memref<128x128xf32, #tpu.memory_space<vmem>>, %arg3: memref<1x128xf32, #tpu.memory_space<vmem>>, %arg4: memref<8192x128xbf16, #tpu.memory_space<vmem>>) attributes {dimension_semantics = [#tpu.dimension_semantics<arbitrary>], iteration_bounds = array<i64: 13>, scalar_prefetch = 0 : i64, scratch_operands = 0 : i64, tpu.core_type = #tpu.core_type<tc>, window_params = [{transform_indices = @transform_0, window_bounds = array<i64: 8192, 128>}, {pipeline_mode = #tpu.pipeline_mode<synchronous>, transform_indices = @transform_1, window_bounds = array<i64: 128, 128>}, {pipeline_mode = #tpu.pipeline_mode<synchronous>, transform_indices = @transform_2, window_bounds = array<i64: 1, 128>}, {transform_indices = @transform_3, window_bounds = array<i64: 8192, 128>}]} {
    %get3A = arith.constant 0 : index
    %get3A_0 = arith.constant 0 : index
    %get3A_1 = vector.load %arg1[%get3A, %get3A_0] : memref<8192x128xf32, #tpu.memory_space<vmem>>, vector<8192x128xf32>
    %get3A_2 = arith.constant 0 : index
    %get3A_3 = arith.constant 0 : index
    %get3A_4 = vector.load %arg2[%get3A_2, %get3A_3] : memref<128x128xf32, #tpu.memory_space<vmem>>, vector<128x128xf32>
    %dot_general3A = arith.constant dense<0.000000e+00> : vector<8192x128xf32>
    %dot_general3A_5 = tpu.matmul %get3A_1, %get3A_4, %dot_general3A {dimension_numbers = #tpu.dot_dimension_numbers<[1], [0], [0], [1], [0, 0, 1, 1], [], []>, transpose_lhs_hint = false} : vector<8192x128xf32>, vector<128x128xf32>, vector<8192x128xf32> -> vector<8192x128xf32>
    %get3A_6 = arith.constant 0 : index
    %get3A_7 = arith.constant 0 : index
    %get3A_8 = vector.load %arg3[%get3A_6, %get3A_7] : memref<1x128xf32, #tpu.memory_space<vmem>>, vector<1x128xf32>
    %add3A = vector.broadcast %get3A_8 : vector<1x128xf32> to vector<8192x128xf32>
    %add3A_9 = arith.addf %dot_general3A_5, %add3A : vector<8192x128xf32>
    %convert_element_type3A = arith.truncf %add3A_9 : vector<8192x128xf32> to vector<8192x128xbf16>
    %swap3A = arith.constant 0 : index
    %swap3A_10 = arith.constant 0 : index
    %swap3A_11 = vector.load %arg4[%swap3A, %swap3A_10] : memref<8192x128xbf16, #tpu.memory_space<vmem>>, vector<8192x128xbf16>
    tpu.vector_store %arg4[%swap3A, %swap3A_10], %convert_element_type3A {strides = array<i32>} : memref<8192x128xbf16, #tpu.memory_space<vmem>>, vector<8192x128xbf16>,
    return
  }
  func.func @transform_0(%arg0: i32) -> (i32, i32) {
    %c0_i32 = arith.constant 0 : i32
    %c0_i32_0 = arith.constant 0 : i32
    return %arg0, %c0_i32 : i32, i32
  }
  func.func @transform_1(%arg0: i32) -> (i32, i32) {
    %c0_i32 = arith.constant 0 : i32
    %c0_i32_0 = arith.constant 0 : i32
    %c0_i32_1 = arith.constant 0 : i32
    return %c0_i32, %c0_i32_0 : i32, i32
  }
  func.func @transform_2(%arg0: i32) -> (i32, i32) {
    %c0_i32 = arith.constant 0 : i32
    %c0_i32_0 = arith.constant 0 : i32
    %c0_i32_1 = arith.constant 0 : i32
    return %c0_i32, %c0_i32_0 : i32, i32
  }
  func.func @transform_3(%arg0: i32) -> (i32, i32) {
    %c0_i32 = arith.constant 0 : i32
    %c0_i32_0 = arith.constant 0 : i32
    return %arg0, %c0_i32 : i32, i32
  }
}

module attributes {stable_mosaic.version = 14 : i64} {
  func.func @_mlp_b_body(%arg0: i32, %arg1: memref<2x8192xf32, #tpu.memory_space<vmem>>, %arg2: memref<8192x128xbf16, #tpu.memory_space<vmem>>, %arg3: memref<1x128xf32, #tpu.memory_space<vmem>>, %arg4: memref<128x128xf32, #tpu.memory_space<vmem>>, %arg5: memref<1x128xf32, #tpu.memory_space<vmem>>, %arg6: memref<3x128xf32, #tpu.memory_space<vmem>>, %arg7: memref<3x1xf32, #tpu.memory_space<vmem>>, %arg8: memref<3x8192xf32, #tpu.memory_space<vmem>>) attributes {dimension_semantics = [#tpu.dimension_semantics<arbitrary>], iteration_bounds = array<i64: 13>, scalar_prefetch = 0 : i64, scratch_operands = 0 : i64, tpu.core_type = #tpu.core_type<tc>, window_params = [{transform_indices = @transform_0, window_bounds = array<i64: 2, 8192>}, {transform_indices = @transform_1, window_bounds = array<i64: 8192, 128>}, {pipeline_mode = #tpu.pipeline_mode<synchronous>, transform_indices = @transform_2, window_bounds = array<i64: 1, 128>}, {pipeline_mode = #tpu.pipeline_mode<synchronous>, transform_indices = @transform_3, window_bounds = array<i64: 128, 128>}, {pipeline_mode = #tpu.pipeline_mode<synchronous>, transform_indices = @transform_4, window_bounds = array<i64: 1, 128>}, {pipeline_mode = #tpu.pipeline_mode<synchronous>, transform_indices = @transform_5, window_bounds = array<i64: 3, 128>}, {pipeline_mode = #tpu.pipeline_mode<synchronous>, transform_indices = @transform_6, window_bounds = array<i64: 3, 1>}, {transform_indices = @transform_7, window_bounds = array<i64: 3, 8192>}]} {
    %get3A = arith.constant 0 : index
    %get3A_0 = arith.constant 0 : index
    %get3A_1 = vector.load %arg1[%get3A, %get3A_0] : memref<2x8192xf32, #tpu.memory_space<vmem>>, vector<1x8192xf32>
    %get3A_2 = arith.constant 1 : index
    %get3A_3 = arith.constant 0 : index
    %get3A_4 = vector.load %arg1[%get3A_2, %get3A_3] : memref<2x8192xf32, #tpu.memory_space<vmem>>, vector<1x8192xf32>
    %add3A = arith.addf %get3A_1, %get3A_4 : vector<1x8192xf32>
    %reshape3A = vector.shape_cast %add3A : vector<1x8192xf32> to vector<8192x1xf32>
    %get3A_5 = arith.constant 0 : index
    %get3A_6 = arith.constant 0 : index
    %get3A_7 = vector.load %arg2[%get3A_5, %get3A_6] : memref<8192x128xbf16, #tpu.memory_space<vmem>>, vector<8192x128xbf16>
    %convert_element_type3A = arith.extf %get3A_7 : vector<8192x128xbf16> to vector<8192x128xf32>
    %get3A_8 = arith.constant 0 : index
    %get3A_9 = arith.constant 0 : index
    %get3A_10 = vector.load %arg3[%get3A_8, %get3A_9] : memref<1x128xf32, #tpu.memory_space<vmem>>, vector<1x128xf32>
    %mul3A = vector.broadcast %reshape3A : vector<8192x1xf32> to vector<8192x128xf32>
    %mul3A_11 = vector.broadcast %get3A_10 : vector<1x128xf32> to vector<8192x128xf32>
    %mul3A_12 = arith.mulf %mul3A, %mul3A_11 : vector<8192x128xf32>
    %add3A_13 = arith.addf %convert_element_type3A, %mul3A_12 : vector<8192x128xf32>
    %max3A = arith.constant 0.000000e+00 : f32
    %max3A_14 = vector.broadcast %max3A : f32 to vector<8192x128xf32>
    %max3A_15 = arith.maximumf %add3A_13, %max3A_14 : vector<8192x128xf32>
    %get3A_16 = arith.constant 0 : index
    %get3A_17 = arith.constant 0 : index
    %get3A_18 = vector.load %arg4[%get3A_16, %get3A_17] : memref<128x128xf32, #tpu.memory_space<vmem>>, vector<128x128xf32>
    %dot_general3A = arith.constant dense<0.000000e+00> : vector<8192x128xf32>
    %dot_general3A_19 = tpu.matmul %max3A_15, %get3A_18, %dot_general3A {dimension_numbers = #tpu.dot_dimension_numbers<[1], [0], [0], [1], [0, 0, 1, 1], [], []>, transpose_lhs_hint = false} : vector<8192x128xf32>, vector<128x128xf32>, vector<8192x128xf32> -> vector<8192x128xf32>
    %get3A_20 = arith.constant 0 : index
    %get3A_21 = arith.constant 0 : index
    %get3A_22 = vector.load %arg5[%get3A_20, %get3A_21] : memref<1x128xf32, #tpu.memory_space<vmem>>, vector<1x128xf32>
    %add3A_23 = vector.broadcast %get3A_22 : vector<1x128xf32> to vector<8192x128xf32>
    %add3A_24 = arith.addf %dot_general3A_19, %add3A_23 : vector<8192x128xf32>
    %max3A_25 = arith.constant 0.000000e+00 : f32
    %max3A_26 = vector.broadcast %max3A_25 : f32 to vector<8192x128xf32>
    %max3A_27 = arith.maximumf %add3A_24, %max3A_26 : vector<8192x128xf32>
    %get3A_28 = arith.constant 0 : index
    %get3A_29 = arith.constant 0 : index
    %get3A_30 = vector.load %arg6[%get3A_28, %get3A_29] : memref<3x128xf32, #tpu.memory_space<vmem>>, vector<3x128xf32>
    %dot_general3A_31 = arith.constant dense<0.000000e+00> : vector<3x8192xf32>
    %dot_general3A_32 = tpu.matmul %get3A_30, %max3A_27, %dot_general3A_31 {dimension_numbers = #tpu.dot_dimension_numbers<[1], [1], [0], [0], [0, 0, 1, 0], [], []>, transpose_lhs_hint = false} : vector<3x128xf32>, vector<8192x128xf32>, vector<3x8192xf32> -> vector<3x8192xf32>
    %get3A_33 = arith.constant 0 : index
    %get3A_34 = arith.constant 0 : index
    %get3A_35 = vector.load %arg7[%get3A_33, %get3A_34] : memref<3x1xf32, #tpu.memory_space<vmem>>, vector<3x1xf32>
    %add3A_36 = vector.broadcast %get3A_35 : vector<3x1xf32> to vector<3x8192xf32>
    %add3A_37 = arith.addf %dot_general3A_32, %add3A_36 : vector<3x8192xf32>
    %swap3A = arith.constant 0 : index
    %swap3A_38 = arith.constant 0 : index
    %swap3A_39 = vector.load %arg8[%swap3A, %swap3A_38] : memref<3x8192xf32, #tpu.memory_space<vmem>>, vector<3x8192xf32>
    tpu.vector_store %arg8[%swap3A, %swap3A_38], %add3A_37 {strides = array<i32>} : memref<3x8192xf32, #tpu.memory_space<vmem>>, vector<3x8192xf32>,
    return
  }
  func.func @transform_0(%arg0: i32) -> (i32, i32) {
    %c0_i32 = arith.constant 0 : i32
    %c0_i32_0 = arith.constant 0 : i32
    return %c0_i32, %arg0 : i32, i32
  }
  func.func @transform_1(%arg0: i32) -> (i32, i32) {
    %c0_i32 = arith.constant 0 : i32
    %c0_i32_0 = arith.constant 0 : i32
    return %arg0, %c0_i32 : i32, i32
  }
  func.func @transform_2(%arg0: i32) -> (i32, i32) {
    %c0_i32 = arith.constant 0 : i32
    %c0_i32_0 = arith.constant 0 : i32
    %c0_i32_1 = arith.constant 0 : i32
    return %c0_i32, %c0_i32_0 : i32, i32
  }
  func.func @transform_3(%arg0: i32) -> (i32, i32) {
    %c0_i32 = arith.constant 0 : i32
    %c0_i32_0 = arith.constant 0 : i32
    %c0_i32_1 = arith.constant 0 : i32
    return %c0_i32, %c0_i32_0 : i32, i32
  }
  func.func @transform_4(%arg0: i32) -> (i32, i32) {
    %c0_i32 = arith.constant 0 : i32
    %c0_i32_0 = arith.constant 0 : i32
    %c0_i32_1 = arith.constant 0 : i32
    return %c0_i32, %c0_i32_0 : i32, i32
  }
  func.func @transform_5(%arg0: i32) -> (i32, i32) {
    %c0_i32 = arith.constant 0 : i32
    %c0_i32_0 = arith.constant 0 : i32
    %c0_i32_1 = arith.constant 0 : i32
    return %c0_i32, %c0_i32_0 : i32, i32
  }
  func.func @transform_6(%arg0: i32) -> (i32, i32) {
    %c0_i32 = arith.constant 0 : i32
    %c0_i32_0 = arith.constant 0 : i32
    %c0_i32_1 = arith.constant 0 : i32
    return %c0_i32, %c0_i32_0 : i32, i32
  }
  func.func @transform_7(%arg0: i32) -> (i32, i32) {
    %c0_i32 = arith.constant 0 : i32
    %c0_i32_0 = arith.constant 0 : i32
    return %c0_i32, %arg0 : i32, i32
  }
}

</mosaic_0001>

<sc_bundles>
// kernel: kernel.5.cloned.1.call-start
scs
__scs_entry_jumppad:
0x0: {  	(pc) =	sbr.rel $0x88, $3  }
0x1: {  	(tag) =	ssettag $0x0;
	lr =	simm.s32 $0x1  }
0x2: {  	[smem:$0x3F98] =	sst lr;
	_ =	strace $0xD0000000  }
0x3: {  	_ = 	snop  }
0x4: {  	_ = 	snop  }
0x5: {  	_ = 	snop  }
0x6: {  	_ = 	snop  }
0x7: {  	_ = 	snop  }
__scs_overlays_trampoline_lowered:
0x8: {  	[smem:$0x3FA7] =	sst s0  }
0x9: {  	[smem:$0x3FA8] =	sst s1  }
0xa: {  	[smem:$0x3FA9] =	sst s2  }
0xb: {  	[smem:$0x3FAA] =	sst s3  }
0xc: {  	[smem:$0x3FAB] =	sst s4  }
0xd: {  	[smem:$0x3FAC] =	sst s5  }
0xe: {  	[smem:$0x3FAD] =	sst s6  }
0xf: {  	[smem:$0x3FAE] =	sst s7  }
0x10: {  	[smem:$0x3FAF] =	sst s8  }
0x11: {  	[smem:$0x3FB0] =	sst s9;
	s0 =	simm.s32 @!p0 $0x0  }
0x12: {  	s1 =	sld [smem:$0x3F96];
	s0 =	simm.s32 @p0 $0x1  }
0x13: {  	[smem:$0x3FB1] =	sst s0;
	s0 =	simm.s32 @!p1 $0x0  }
0x14: {  	s2 =	sld [smem:$0x3F95];
	s0 =	simm.s32 @p1 $0x1  }
0x15: {  	[smem:$0x3FB2] =	sst s0;
	s0 =	simm.s32 @!p2 $0x0  }
0x16: {  	s3 =	sld [smem:$0x3FDB];
	s0 =	simm.s32 @p2 $0x1  }
0x17: {  	s4 =	simm.s32 $0x1BF5;
	[smem:$0x3FB4] =	sst s0  }
0x18: {  	s0 =	sld [smem:$0x3F97];
	_ =	swait.ge [sflag:s4], $0x0  }
0x19: {  	s7 =	sld [smem:$0x3F98]  }
0x1a: {  	s8 =	sadd.s32 $0xFFFFE003, lr  }
0x1b: {  	s9 =	sadd.s32 $0xFFFFFEF7, lr;
	s5 =	simm.s32 $0xFFFFFFFF;
	p2 =	slt.u32 s8, $0xFFFFF086  }
0x1c: {  	p1 =	slt.u32 s9, $0xF7A;
	s5 =	simm.s32 @!p2 $0x0  }
0x1d: {  	s5 =	simm.s32 @p1 $0x1;
	p0 =	seq.s32 s7, s2  }
0x1e: {  	s7 =	smul.u32 @!p0 $0xF7A, s2;
	p2 =	seq.s32 @!p0 s5, $0x0  }
0x1f: {  	s9 =	smul.u32 $0xF7A, s1;
	s8 =	simm.s32 @!p0 $0x1BF5;
	p2 =	por !p2, p0  }
0x20: {  	[sflag:s8] =	ssyncset.s32 @!p0 $0xFFFFF086;
	s6 =	sadd.s32 @!p0 s3, s7;
	s7 =	simm.s32 @!p0 $0x108  }
0x21: {  	s3 =	sadd.s32 s3, s9;
	s6 =	sadd.s32 @!p0 $0x88, s6;
	s7 =	simm.s32 @p2 $0x1082  }
0x22: {  	[simem:s7], [sflag:s8] =	dma.local @!p0 [hbm:s6], $0xF7A  }
0x23: {  	s9 =	sor.u32 $0xD0000000, s2;
	s6 =	simm.s32 $0x108;
	_ =	swait.ge @!p0 [sflag:s8], $0x0  }
0x24: {  	s3 =	sadd.s32 $0x88, s3;
	s6 =	simm.s32 @!p1 $0x1082;
	[sflag:s4] =	ssyncset.s32 $0xFFFFF086  }
0x25: {  	[simem:s6], [sflag:s4] =	dma.local [hbm:s3], $0xF7A  }
0x26: {  	[smem:$0x3F98] =	sst s1;
	(tag) =	ssettag s2;
	_ =	strace s9  }
0x27: {  	s1 =	sld [smem:$0x3FA8]  }
0x28: {  	s2 =	sld [smem:$0x3FA9]  }
0x29: {  	s4 =	sld [smem:$0x3FAB]  }
0x2a: {  	p0 =	seq.s32 s5, $0x0;
	s5 =	sld [smem:$0x3FAC]  }
0x2b: {  	s6 =	sld [smem:$0x3FAD]  }
0x2c: {  	s7 =	sld [smem:$0x3FAE]  }
0x2d: {  	s3 =	simm.s32 $0x108;
	s8 =	sld [smem:$0x3FAF]  }
0x2e: {  	s3 =	simm.s32 @!p0 $0x1082;
	s9 =	sld [smem:$0x3FB0]  }
0x2f: {  	lr =	sadd.s32 s0, s3;
	s0 =	sld [smem:$0x3FA7]  }
0x30: {  	s3 =	sld [smem:$0x3FAA]  }
0x31: {  	[smem:$0x3FB3] =	sst s10  }
0x32: {  	s10 =	sld [smem:$0x3FB1];
	_ =	sdelay $0x3  }
0x33: {  	p0 =	seq.s32 s10, $0x1;
	s10 =	sld [smem:$0x3FB3];
	_ =	sdelay $0x3  }
0x34: {  	[smem:$0x3FB3] =	sst s10  }
0x35: {  	s10 =	sld [smem:$0x3FB2];
	_ =	sdelay $0x3  }
0x36: {  	p1 =	seq.s32 s10, $0x1;
	s10 =	sld [smem:$0x3FB3];
	_ =	sdelay $0x3  }
0x37: {  	[smem:$0x3FB3] =	sst s10  }
0x38: {  	s10 =	sld [smem:$0x3FB4]  }
0x39: {  	_ = 	snop;
	(pc) =	sbr.ind lr, $3  }
0x3a: {  	_ = 	snop  }
0x3b: {  	_ = 	snop  }
0x3c: {  	p2 =	seq.s32 s10, $0x1;
	s10 =	sld [smem:$0x3FB3]  }
0x3d: {  	_ =	shalt  }
0x3e: {  	_ =	shalt  }
0x3f: {  	_ =	shalt  }
0x40: {  	_ =	shalt  }
0x41: {  	_ =	shalt  }
0x42: {  	_ =	shalt  }
0x43: {  	_ =	shalt  }
0x44: {  	_ =	shalt  }
0x45: {  	_ =	shalt  }
0x46: {  	_ =	shalt  }
0x47: {  	_ =	shalt  }
0x48: {  	_ =	shalt  }
0x49: {  	_ =	shalt  }
0x4a: {  	_ =	shalt  }
0x4b: {  	_ =	shalt  }
0x4c: {  	_ =	shalt  }
0x4d: {  	_ =	shalt  }
0x4e: {  	_ =	shalt  }
0x4f: {  	_ =	shalt  }
0x50: {  	_ =	shalt  }
0x51: {  	_ =	shalt  }
0x52: {  	_ =	shalt  }
0x53: {  	_ =	shalt  }
0x54: {  	_ =	shalt  }
0x55: {  	_ =	shalt  }
0x56: {  	_ =	shalt  }
0x57: {  	_ =	shalt  }
0x58: {  	_ =	shalt  }
0x59: {  	_ =	shalt  }
0x5a: {  	_ =	shalt  }
0x5b: {  	_ =	shalt  }
0x5c: {  	_ =	shalt  }
0x5d: {  	_ =	shalt  }
0x5e: {  	_ =	shalt  }
0x5f: {  	_ =	shalt  }
0x60: {  	_ =	shalt  }
0x61: {  	_ =	shalt  }
0x62: {  	_ =	shalt  }
0x63: {  	_ =	shalt  }
0x64: {  	_ =	shalt  }
0x65: {  	_ =	shalt  }
0x66: {  	_ =	shalt  }
0x67: {  	_ =	shalt  }
0x68: {  	_ =	shalt  }
0x69: {  	_ =	shalt  }
0x6a: {  	_ =	shalt  }
0x6b: {  	_ =	shalt  }
0x6c: {  	_ =	shalt  }
0x6d: {  	_ =	shalt  }
0x6e: {  	_ =	shalt  }
0x6f: {  	_ =	shalt  }
0x70: {  	_ =	shalt  }
0x71: {  	_ =	shalt  }
0x72: {  	_ =	shalt  }
0x73: {  	_ =	shalt  }
0x74: {  	_ =	shalt  }
0x75: {  	_ =	shalt  }
0x76: {  	_ =	shalt  }
0x77: {  	_ =	shalt  }
0x78: {  	_ =	shalt  }
0x79: {  	_ =	shalt  }
0x7a: {  	_ =	shalt  }
0x7b: {  	_ =	shalt  }
0x7c: {  	_ =	shalt  }
0x7d: {  	_ =	shalt  }
0x7e: {  	_ =	shalt  }
0x7f: {  	_ =	shalt  }
0x80: {  	_ =	shalt  }
0x81: {  	_ =	shalt  }
0x82: {  	_ =	shalt  }
0x83: {  	_ =	shalt  }
0x84: {  	_ =	shalt  }
0x85: {  	_ =	shalt  }
0x86: {  	_ =	shalt  }
0x87: {  	_ =	shalt  }
.Lfunc_end0:
.L_simem_size_0:
called_computation_lowered:
.L_overlay_start_0:
0x88: {  	s2 =	sld [smem:$0x3FD9]  }
0x89: {  	s3 =	sld [smem:$0x3FFE];
	_ =	sdelay $0x1  }
0x8a: {  	s1 =	srdreg.scid  }
0x8b: {  	s0 =	sand.u32 $0x1, s1  }
0x8c: {  	s17 =	sshll.u32 s0, $0xA;
	s2 =	sadd.s32 s3, s2  }
0x8d: {  	s2 =	sadd.s32 s2, s17  }
0x8e: {  	[smem:$0x3FBF] =	sst s2  }
0x8f: {  	_ = 	snop  }
0x90: {  	s2 =	sld [smem:$0x3FC7]  }
0x91: {  	s18 =	sld [smem:$0x3FD0];
	(tm) =	ssettm $0x1  }
0x92: {  	s4 =	sld [smem:$0x3FFB];
	_ =	sdelay $0x3  }
0x93: {  	_ =	strace s4  }
0x94: {  	s4 =	sld [smem:$0x3FFC];
	_ =	sdelay $0x3  }
0x95: {  	_ =	strace s4  }
0x96: {  	s4 =	sld [smem:$0x3FFD];
	_ =	sdelay $0x3  }
0x97: {  	_ =	strace s4  }
0x98: {  	_ =	strace $0x8FFFFFFF  }
0x99: {  	s19 =	sld [smem:$0x3FDB];
	_ =	sdelay $0x1  }
0x9a: {  	s5 =	simm.s32 $_scs_section_size  }
0x9b: {  	s6 =	simm.s32 $_size__tile_overlayer_lowered;
	s7 =	simm.s32 $_tile_overlayer_lowered  }
0x9c: {  	s22 =	simm.s32 $0x1BFF;
	s21 =	sshll.u32 s7, $0x1;
	s4 =	sadd.s32 s5, s19  }
0x9d: {  	s8 =	simm.s32 $0x0;
	s20 =	sshll.u32 s6, $0x1;
	s6 =	sadd.s32 s21, s4  }
0x9e: {  	[timem:s8], [sflag:s22] =	dma.local [hbm:s6], s20  }
0x9f: {  	_ =	swait.ge [sflag:s22], s20  }
0xa0: {  	s5 =	ssub.s32 $0x0, s20;
	[sflag:s22] =	ssyncset.done $0x0  }
0xa1: {  	[sflag:s22] =	ssyncadd.s32 s5;
	_ =	sdelay $0x1  }
0xa2: {  	s23 =	simm.s32 $0x1B8B  }
0xa3: {  	_ =	swait.ge [sflag:s23], $0x1  }
0xa4: {  	[sflag:s23] =	ssyncset.done $0x0  }
0xa5: {  	s25 =	simm.s32 $0x1B8E;
	s24 =	sld [smem:$0x3FFE];
	[sflag:s23] =	ssyncadd.s32 $0xFFFFFFFF  }
0xa6: {  	s26 =	simm.s32 $execute0_lowered;
	[smem:$0x3FD2] =	sst s25  }
0xa7: {  	s6 =	sshll.u32 s26, $0x1;
	_ =	strace $0x80000046;
	[dreg:$0x1] =	wrdreg $0xFFFFFFFF  }
0xa8: {  	s28 =	simm.s32 $_size_execute0_lowered;
	s4 =	sadd.s32 s4, s6;
	[dreg:$0x0] =	wrdreg $0x0  }
0xa9: {  	s6 =	sshll.u32 s28, $0x1;
	[dreg:$0x2] =	wrdreg s4  }
0xaa: {  	[dreg:$0x3] =	wrdreg s6  }
0xab: {  	[dreg:$0x4] =	wrdreg $0xC0  }
0xac: {  	_ =	task [dreg:s8], $0x5FFFF  }
0xad: {  	[dreg:$0x1] =	wrdreg $0xFFFFFFFF  }
0xae: {  	[dreg:$0x0] =	wrdreg $0x60  }
0xaf: {  	[dreg:$0x2] =	wrdreg s2  }
0xb0: {  	[dreg:$0x3] =	wrdreg s24  }
0xb1: {  	[dreg:$0x4] =	wrdreg s18  }
0xb2: {  	[dreg:$0x5] =	wrdreg $0x1A0700  }
0xb3: {  	[dreg:$0x6] =	wrdreg $0x9  }
0xb4: {  	_ =	task.clear_ibuf [dreg:s8], $0x7FFFF;
	_ =	strace $0x90000046  }
0xb5: {  	s29 =	simm.s32 $0x9;
	_ =	strace $0x80000048  }
0xb6: {  	_ =	swait.ge [sflag:s29], $0x1  }
0xb7: {  	[sflag:s29] =	ssyncadd.s32 $0xFFFFFFFF  }
0xb8: {  	_ =	strace $0x90000048  }
0xb9: {  	_ =	sfence  }
0xba: {  	s30 =	sld [smem:$0x0];
	_ =	sdelay $0x2  }
0xbb: {  	s31 =	sshll.u32 s1, $0xD;
	s1 =	sshrl.u32 s1, $0x2  }
0xbc: {  	s3 =	sand.u32 $0x4000, s31;
	s1 =	sadd.s32 s1, s30  }
0xbd: {  	s0 =	sor.u32 s3, s0;
	s1 =	sshll.u32 s1, $0x11  }
0xbe: {  	s0 =	sor.u32 s1, s0  }
0xbf: {  	s0 =	sadd.s32 $0x8F2B, s0  }
0xc0: {  	[sflag:s0] =	ssyncadd.remote.s32 $0x1  }
0xc1: {  	_ =	sfence.sel $0xFFFF  }
0xc2: {  	[dreg:$0x0] =	wrdreg $0xFFFFFFFF;
	(pc) =	sbr.abs _section_cstart, $3  }
0xc3: {  	[dreg:$0x1] =	wrdreg $0xFFFFFFFF  }
0xc4: {  	_ =	task.clear_ibuf [dreg:s8], $0x2FFFF;
	_ =	strace $0x9FFFFFFF  }
0xc5: {  	(tm) =	ssettm $0x7FFFFFFF  }
tec
execute0_lowered:
.L_overlay_start_1:
0x0: {  	(tag) =	ssettag $0x1  }
0x1: {  	s1 =	rddreg [dreg:$0x0]  }
0x2: {  	s0 =	srdreg.scid;
	s4 =	rddreg [dreg:$0x1]  }
0x3: {  	s11 =	stileid.u32;
	s8 =	rddreg [dreg:$0x2]  }
0x4: {  	s3 =	simm.s32 $0x0;
	s13 =	simm.s32 $0x80;
	s14 =	simm.s32 $0x180  }
0x5: {  	s16 =	simm.s32 $0x280;
	s18 =	simm.s32 $0x380;
	s20 =	simm.s32 $0x480  }
0x6: {  	s22 =	simm.s32 $0x580;
	s25 =	simm.s32 $0x680;
	s28 =	simm.s32 $0x2  }
0x7: {  	s17 =	simm.s32 $0x12900;
	s0 =	sand.u32 $0x1, s0;
	s2 =	sshll.u32 s11, $0x1  }
0x8: {  	s19 =	simm.s32 $0x0;
	s11 =	smul.u32 $0x1870, s11;
	s2 =	sor.u32 s0, s2  }
0x9: {  	[smem:$0x7FF] =	sst s3;
	s10 =	ssub.s32 $0x2, s0;
	s5 =	smul.u32 $0x30D4, s2  }
0xa: {  	s0 =	smul.u32 $0x30E0, s0;
	s2 =	rddreg [dreg:$0x3];
	_ =	strace $0x80000047  }
0xb: {  	s29 =	sshrl.u32 s10, $0x1;
	s15 =	sshrl.u32 s11, $0x3;
	s6 =	sshrl.u32 s5, $0x5  }
0xc: {  	s0 =	sadd.s32 s8, s0;
	s5 =	sadd.s32 $0x30D4, s5;
	s7 =	smin.u32 s6, $0x2F4C  }
0xd: {  	s24 =	sadd.s32 s15, s0;
	s30 =	sshrl.u32 s5, $0x5;
	s9 =	sshll.u32 s7, $0x4  }
0xe: {  	s12 =	ssub.s32 s6, s7;
	s31 =	sshll.u32 s7, $0x5;
	s6 =	sadd.s32 s11, s2  }
0xf: {  	s11 =	simm.s32 $0x3;
	s4 =	sadd.s32 s9, s4;
	s9 =	ssub.s32 s10, s29  }
0x10: {  	s5 =	sadd.s32 s1, s31;
	s1 =	ssub.s32 s30, s7;
	p0 =	sne.s32 s12, $0x1  }
0x11: {  	s10 =	simm.s32 $0x18800;
	s12 =	simm.s32 $0x1;
	p1 =	sgt.s32 s1, $0x187  }
0x12: {  	s4 =	sadd.s32 $0xC00, s4;
	s7 =	sadd.s32 $0x1880, s5;
	p2 =	seq.s32 @!p1 s1, $0x187  }
0x13: {  	v0 =	vimm.f32 $0.0e+00;
	s8 =	smax.u32 s9, $0x1;
	s9 =	simm.s32 $0xC400;
	p2 =	por p2, p1  }
.LBB2_1:
0x14: {  	[tilespmem:s9], [sflag:$0x1] =	stream.linear.gather [hbm4b:s4+s3], $0xC400, $0x38;
	[tilespmem:$0x1B8E0] =	vst v63  }
0x15: {  	s1 =	simm.s32 $0x40;
	s21 =	simm.s32 $0x0  }
0x16: {  	[tilespmem:s3], [sflag:$0x1] =	stream.linear.gather [hbm4b:s5+s3], $0xC400, $0x38;
	[tilespmem:$0x1B8E0] =	vst v63  }
.LBB2_2:
0x17: {  	p3 =	sne.s32 s1, $0x6180;
	[tilespmem:s21+$0x18800] =	vst v0;
	s21 =	smov.u32 s1;
	s1 =	sadd.s32 $0x40, s1  }
.Ltmp0:
0x18: {  	(pc) =	sbr.rel @p3 .LBB2_2-.Ltmp0, $2  }
0x19: {  	_ =	sdelay $0x2  }
0x1a: {  	s21 =	sshra.s32 s21, $0x2  }
0x1b: {  	[tilespmem:s21+$0x18800] =	vst v0  }
0x1c: {  	[spmem:s6] =	stream.linear.scatter [tilespmem:s10], [sflag:$0x3], $0x1870, $0x38;
	[tilespmem:$0x1B8E0] =	vst v63  }
0x1d: {  	_ =	swait.ge [sflag:s11], $0x1870  }
0x1e: {  	[sflag:s11] =	ssyncset.done $0x0  }
0x1f: {  	[sflag:s11] =	ssyncadd.s32 $0xFFFFE790  }
0x20: {  	_ =	swait.ge [sflag:s12], $0xC400  }
0x21: {  	[sflag:s12] =	ssyncset.done $0x0  }
0x22: {  	[sflag:s12] =	ssyncadd.s32 $0xFFFF3C00  }
0x23: {  	_ =	swait.ge [sflag:s12], $0xC400  }
0x24: {  	[sflag:s12] =	ssyncset.done $0x0  }
0x25: {  	v1 =	vimm.f32 @!p0 $0.0e+00;
	[sflag:s12] =	ssyncadd.s32 $0xFFFF3C00  }
0x26: {  	[tilespmem:$0xC400] =	vst @!p0 v1  }
0x27: {  	[tilespmem:$0xC410] =	vst @!p0 v1  }
0x28: {  	[tilespmem:$0xC420] =	vst @!p0 v1  }
0x29: {  	[tilespmem:$0xC430] =	vst @!p0 v1  }
0x2a: {  	[tilespmem:$0xC440] =	vst @!p0 v1  }
0x2b: {  	[tilespmem:$0xC450] =	vst @!p0 v1  }
0x2c: {  	[tilespmem:$0xC460] =	vst @!p0 v1  }
0x2d: {  	[tilespmem:$0xC470] =	vst @!p0 v1;
	v1 =	vimm.f32 @!p1 $0.0e+00  }
0x2e: {  	[tilespmem:$0x18780] =	vst @!p1 v1  }
0x2f: {  	[tilespmem:$0x18790] =	vst @!p1 v1  }
0x30: {  	[tilespmem:$0x187A0] =	vst @!p1 v1  }
0x31: {  	[tilespmem:$0x187B0] =	vst @!p1 v1  }
0x32: {  	[tilespmem:$0x187C0] =	vst @!p1 v1  }
0x33: {  	[tilespmem:$0x187D0] =	vst @!p1 v1  }
0x34: {  	[tilespmem:$0x187E0] =	vst @!p1 v1  }
0x35: {  	[tilespmem:$0x187F0] =	vst @!p1 v1;
	v1 =	vimm.f32 @!p2 $0.0e+00  }
0x36: {  	[tilespmem:$0x18700] =	vst @!p2 v1  }
0x37: {  	[tilespmem:$0x18710] =	vst @!p2 v1  }
0x38: {  	[tilespmem:$0x18720] =	vst @!p2 v1  }
0x39: {  	[tilespmem:$0x18730] =	vst @!p2 v1  }
0x3a: {  	[tilespmem:$0x18740] =	vst @!p2 v1  }
0x3b: {  	[tilespmem:$0x18750] =	vst @!p2 v1  }
0x3c: {  	[tilespmem:$0x18760] =	vst @!p2 v1  }
0x3d: {  	[tilespmem:$0x18770] =	vst @!p2 v1  }
0x3e: {  	[bflag:$0x0] =	sbarrier.arrive $0xFFFF  }
0x3f: {  	[spmem:s2] =	stream.indirect.scatter.add.f32 [tilespmem:s9], [sflag:$0x2], $0x1, s13, s13, $0xb8;
	[tilespmem:$0x1B8E0] =	vst v63  }
0x40: {  	s0 =	simm.s32 $0xC480  }
0x41: {  	[spmem:s2] =	stream.indirect.scatter.add.f32 [tilespmem:s0], [sflag:$0x2], $0x1, s14, s13, $0xb8;
	[tilespmem:$0x1B8E0] =	vst v63  }
0x42: {  	s15 =	simm.s32 $0xC500  }
0x43: {  	[spmem:s2] =	stream.indirect.scatter.add.f32 [tilespmem:s15], [sflag:$0x2], $0x1, s16, s13, $0xb8;
	[tilespmem:$0x1B8E0] =	vst v63  }
0x44: {  	s21 =	simm.s32 $0xC580  }
0x45: {  	[spmem:s2] =	stream.indirect.scatter.add.f32 [tilespmem:s21], [sflag:$0x2], $0x1, s18, s13, $0xb8;
	[tilespmem:$0x1B8E0] =	vst v63  }
0x46: {  	s23 =	simm.s32 $0xC600  }
0x47: {  	[spmem:s2] =	stream.indirect.scatter.add.f32 [tilespmem:s23], [sflag:$0x2], $0x1, s20, s13, $0xb8;
	[tilespmem:$0x1B8E0] =	vst v63  }
0x48: {  	s26 =	simm.s32 $0xC680  }
0x49: {  	[spmem:s2] =	stream.indirect.scatter.add.f32 [tilespmem:s26], [sflag:$0x2], $0x1, s22, s13, $0xb8;
	[tilespmem:$0x1B8E0] =	vst v63  }
0x4a: {  	s30 =	simm.s32 $0xC700  }
0x4b: {  	[spmem:s2] =	stream.indirect.scatter.add.f32 [tilespmem:s30], [sflag:$0x2], $0x1, s25, s13, $0xb8;
	[tilespmem:$0x1B8E0] =	vst v63  }
0x4c: {  	s1 =	simm.s32 $0xC780;
	s31 =	simm.s32 $0x780  }
0x4d: {  	[spmem:s2] =	stream.indirect.scatter.add.f32 [tilespmem:s1], [sflag:$0x2], $0x1, s31, s13, $0xb8;
	[tilespmem:$0x1B8E0] =	vst v63  }
0x4e: {  	s0 =	simm.s32 $0xC800;
	s15 =	simm.s32 $0x880  }
0x4f: {  	[spmem:s2] =	stream.indirect.scatter.add.f32 [tilespmem:s0], [sflag:$0x2], $0x1, s15, s13, $0xb8;
	[tilespmem:$0x1B8E0] =	vst v63  }
0x50: {  	s23 =	simm.s32 $0xC880;
	s26 =	simm.s32 $0x980  }
0x51: {  	[spmem:s2] =	stream.indirect.scatter.add.f32 [tilespmem:s23], [sflag:$0x2], $0x1, s26, s13, $0xb8;
	[tilespmem:$0x1B8E0] =	vst v63  }
0x52: {  	s30 =	simm.s32 $0xC900;
	s31 =	simm.s32 $0xA80  }
0x53: {  	[spmem:s2] =	stream.indirect.scatter.add.f32 [tilespmem:s30], [sflag:$0x2], $0x1, s31, s13, $0xb8;
	[tilespmem:$0x1B8E0] =	vst v63  }
0x54: {  	s0 =	simm.s32 $0xC980;
	s15 =	simm.s32 $0xB80  }
0x55: {  	[spmem:s2] =	stream.indirect.scatter.add.f32 [tilespmem:s0], [sflag:$0x2], $0x1, s15, s13, $0xb8;
	[tilespmem:$0x1B8E0] =	vst v63  }
0x56: {  	s23 =	simm.s32 $0xCA00;
	s26 =	simm.s32 $0xC80  }
0x57: {  	[spmem:s2] =	stream.indirect.scatter.add.f32 [tilespmem:s23], [sflag:$0x2], $0x1, s26, s13, $0xb8;
	[tilespmem:$0x1B8E0] =	vst v63  }
0x58: {  	s30 =	simm.s32 $0xCA80;
	s31 =	simm.s32 $0xD80  }
0x59: {  	[spmem:s2] =	stream.indirect.scatter.add.f32 [tilespmem:s30], [sflag:$0x2], $0x1, s31, s13, $0xb8;
	[tilespmem:$0x1B8E0] =	vst v63  }
0x5a: {  	_ =	swait.ge [sflag:s28], $0x80  }
0x5b: {  	[sflag:s28] =	ssyncset.done $0x0  }
0x5c: {  	[sflag:s28] =	ssyncadd.s32 $0xFFFFFF80  }
0x5d: {  	_ =	swait.ge [sflag:s28], $0x80  }
0x5e: {  	[sflag:s28] =	ssyncset.done $0x0  }
0x5f: {  	[sflag:s28] =	ssyncadd.s32 $0xFFFFFF80  }
0x60: {  	_ =	swait.ge [sflag:s28], $0x80  }
0x61: {  	[sflag:s28] =	ssyncset.done $0x0  }
0x62: {  	[sflag:s28] =	ssyncadd.s32 $0xFFFFFF80  }
0x63: {  	_ =	swait.ge [sflag:s28], $0x80  }
0x64: {  	[sflag:s28] =	ssyncset.done $0x0  }
0x65: {  	[sflag:s28] =	ssyncadd.s32 $0xFFFFFF80  }
0x66: {  	_ =	swait.ge [sflag:s28], $0x80  }
0x67: {  	[sflag:s28] =	ssyncset.done $0x0  }
0x68: {  	[sflag:s28] =	ssyncadd.s32 $0xFFFFFF80  }
0x69: {  	_ =	swait.ge [sflag:s28], $0x80  }
0x6a: {  	[sflag:s28] =	ssyncset.done $0x0  }
0x6b: {  	[sflag:s28] =	ssyncadd.s32 $0xFFFFFF80  }
0x6c: {  	s29 =	simm.s32 $0x700;
	_ =	swait.ge [sflag:s28], $0x80  }
0x6d: {  	s21 =	simm.s32 $0xCB00;
	s1 =	simm.s32 $0x3800;
	[sflag:s28] =	ssyncset.done $0x0  }
.LBB2_4:
0x6e: {  	s30 =	sadd.s32 $0x780, s29  }
0x6f: {  	[sflag:s28] =	ssyncadd.s32 $0xFFFFFF80;
	s26 =	smov.u32 s1;
	s23 =	sadd.s32 $0x1C00, s1  }
0x70: {  	[spmem:s2] =	stream.indirect.scatter.add.f32 [tilespmem:s21], [sflag:$0x2], $0x1, s30, s13, $0xb8;
	[tilespmem:$0x1B8E0] =	vst v63  }
0x71: {  	p3 =	sne.s32 s1, $0x2D800;
	s1 =	sadd.s32 $0x80, s21;
	s30 =	sadd.s32 $0x880, s29  }
0x72: {  	[spmem:s2] =	stream.indirect.scatter.add.f32 [tilespmem:s1], [sflag:$0x2], $0x1, s30, s13, $0xb8;
	[tilespmem:$0x1B8E0] =	vst v63  }
0x73: {  	s1 =	sadd.s32 $0x100, s21;
	s30 =	sadd.s32 $0x980, s29  }
0x74: {  	[spmem:s2] =	stream.indirect.scatter.add.f32 [tilespmem:s1], [sflag:$0x2], $0x1, s30, s13, $0xb8;
	[tilespmem:$0x1B8E0] =	vst v63  }
0x75: {  	s1 =	sadd.s32 $0x180, s21;
	s30 =	sadd.s32 $0xA80, s29  }
0x76: {  	[spmem:s2] =	stream.indirect.scatter.add.f32 [tilespmem:s1], [sflag:$0x2], $0x1, s30, s13, $0xb8;
	[tilespmem:$0x1B8E0] =	vst v63  }
0x77: {  	s1 =	sadd.s32 $0x200, s21;
	s30 =	sadd.s32 $0xB80, s29  }
0x78: {  	[spmem:s2] =	stream.indirect.scatter.add.f32 [tilespmem:s1], [sflag:$0x2], $0x1, s30, s13, $0xb8;
	[tilespmem:$0x1B8E0] =	vst v63  }
0x79: {  	s1 =	sadd.s32 $0x280, s21;
	s30 =	sadd.s32 $0xC80, s29  }
0x7a: {  	[spmem:s2] =	stream.indirect.scatter.add.f32 [tilespmem:s1], [sflag:$0x2], $0x1, s30, s13, $0xb8;
	[tilespmem:$0x1B8E0] =	vst v63  }
0x7b: {  	s29 =	sadd.s32 $0xD80, s29;
	s1 =	sadd.s32 $0x300, s21  }
0x7c: {  	[spmem:s2] =	stream.indirect.scatter.add.f32 [tilespmem:s1], [sflag:$0x2], $0x1, s29, s13, $0xb8;
	[tilespmem:$0x1B8E0] =	vst v63  }
0x7d: {  	_ =	swait.ge [sflag:s28], $0x80  }
0x7e: {  	[sflag:s28] =	ssyncset.done $0x0  }
0x7f: {  	[sflag:s28] =	ssyncadd.s32 $0xFFFFFF80  }
0x80: {  	_ =	swait.ge [sflag:s28], $0x80  }
0x81: {  	[sflag:s28] =	ssyncset.done $0x0  }
0x82: {  	[sflag:s28] =	ssyncadd.s32 $0xFFFFFF80  }
0x83: {  	_ =	swait.ge [sflag:s28], $0x80  }
0x84: {  	[sflag:s28] =	ssyncset.done $0x0  }
0x85: {  	[sflag:s28] =	ssyncadd.s32 $0xFFFFFF80  }
0x86: {  	_ =	swait.ge [sflag:s28], $0x80  }
0x87: {  	[sflag:s28] =	ssyncset.done $0x0  }
0x88: {  	[sflag:s28] =	ssyncadd.s32 $0xFFFFFF80  }
0x89: {  	_ =	swait.ge [sflag:s28], $0x80  }
0x8a: {  	[sflag:s28] =	ssyncset.done $0x0  }
0x8b: {  	[sflag:s28] =	ssyncadd.s32 $0xFFFFFF80  }
.Ltmp1:
0x8c: {  	_ =	swait.ge [sflag:s28], $0x80;
	(pc) =	sbr.rel @p3 .LBB2_4-.Ltmp1, $4  }
0x8d: {  	[sflag:s28] =	ssyncset.done $0x0  }
0x8e: {  	[sflag:s28] =	ssyncadd.s32 $0xFFFFFF80  }
0x8f: {  	s21 =	sadd.s32 $0x380, s21;
	_ =	swait.ge [sflag:s28], $0x80  }
0x90: {  	s29 =	sshra.s32 s26, $0x2;
	s1 =	smov.u32 s23;
	[sflag:s28] =	ssyncset.done $0x0  }
0x91: {  	s1 =	sadd.s32 $0x780, s29;
	[sflag:s28] =	ssyncadd.s32 $0xFFFFFF80  }
0x92: {  	[spmem:s2] =	stream.indirect.scatter.add.f32 [tilespmem:s21], [sflag:$0x2], $0x1, s1, s13, $0xb8;
	[tilespmem:$0x1B8E0] =	vst v63  }
0x93: {  	s15 =	sadd.s32 $0x80, s21;
	s23 =	sadd.s32 $0x880, s29  }
0x94: {  	[spmem:s2] =	stream.indirect.scatter.add.f32 [tilespmem:s15], [sflag:$0x2], $0x1, s23, s13, $0xb8;
	[tilespmem:$0x1B8E0] =	vst v63  }
0x95: {  	s26 =	sadd.s32 $0x980, s29;
	s23 =	sadd.s32 $0x100, s21  }
0x96: {  	[spmem:s2] =	stream.indirect.scatter.add.f32 [tilespmem:s23], [sflag:$0x2], $0x1, s26, s13, $0xb8;
	[tilespmem:$0x1B8E0] =	vst v63  }
0x97: {  	s0 =	sadd.s32 $0x180, s21;
	s15 =	sadd.s32 $0xA80, s29  }
0x98: {  	[spmem:s2] =	stream.indirect.scatter.add.f32 [tilespmem:s0], [sflag:$0x2], $0x1, s15, s13, $0xb8;
	[tilespmem:$0x1B8E0] =	vst v63  }
0x99: {  	s23 =	sadd.s32 $0x200, s21;
	s26 =	sadd.s32 $0xB80, s29  }
0x9a: {  	[spmem:s2] =	stream.indirect.scatter.add.f32 [tilespmem:s23], [sflag:$0x2], $0x1, s26, s13, $0xb8;
	[tilespmem:$0x1B8E0] =	vst v63  }
0x9b: {  	s0 =	sadd.s32 $0x280, s21;
	s15 =	sadd.s32 $0xC80, s29  }
0x9c: {  	[spmem:s2] =	stream.indirect.scatter.add.f32 [tilespmem:s0], [sflag:$0x2], $0x1, s15, s13, $0xb8;
	[tilespmem:$0x1B8E0] =	vst v63  }
0x9d: {  	s21 =	sadd.s32 $0x300, s21;
	s23 =	sadd.s32 $0xD80, s29  }
0x9e: {  	[spmem:s2] =	stream.indirect.scatter.add.f32 [tilespmem:s21], [sflag:$0x2], $0x1, s23, s13, $0xb8;
	[tilespmem:$0x1B8E0] =	vst v63  }
0x9f: {  	_ =	swait.ge [sflag:s28], $0x80  }
0xa0: {  	[sflag:s28] =	ssyncset.done $0x0  }
0xa1: {  	[sflag:s28] =	ssyncadd.s32 $0xFFFFFF80  }
0xa2: {  	_ =	swait.ge [sflag:s28], $0x80  }
0xa3: {  	[sflag:s28] =	ssyncset.done $0x0  }
0xa4: {  	[sflag:s28] =	ssyncadd.s32 $0xFFFFFF80  }
0xa5: {  	_ =	swait.ge [sflag:s28], $0x80  }
0xa6: {  	[sflag:s28] =	ssyncset.done $0x0  }
0xa7: {  	[sflag:s28] =	ssyncadd.s32 $0xFFFFFF80  }
0xa8: {  	_ =	swait.ge [sflag:s28], $0x80  }
0xa9: {  	[sflag:s28] =	ssyncset.done $0x0  }
0xaa: {  	[sflag:s28] =	ssyncadd.s32 $0xFFFFFF80  }
0xab: {  	_ =	swait.ge [sflag:s28], $0x80  }
0xac: {  	[sflag:s28] =	ssyncset.done $0x0  }
0xad: {  	[sflag:s28] =	ssyncadd.s32 $0xFFFFFF80  }
0xae: {  	_ =	swait.ge [sflag:s28], $0x80  }
0xaf: {  	[sflag:s28] =	ssyncset.done $0x0  }
0xb0: {  	[sflag:s28] =	ssyncadd.s32 $0xFFFFFF80  }
0xb1: {  	_ =	swait.ge [sflag:s28], $0x80  }
0xb2: {  	[sflag:s28] =	ssyncset.done $0x0  }
0xb3: {  	[sflag:s28] =	ssyncadd.s32 $0xFFFFFF80  }
0xb4: {  	_ =	swait.ge [sflag:s28], $0x80  }
0xb5: {  	[sflag:s28] =	ssyncset.done $0x0  }
0xb6: {  	[sflag:s28] =	ssyncadd.s32 $0xFFFFFF80  }
0xb7: {  	_ =	swait.ge [sflag:s28], $0x80  }
0xb8: {  	[sflag:s28] =	ssyncset.done $0x0  }
0xb9: {  	[sflag:s28] =	ssyncadd.s32 $0xFFFFFF80  }
0xba: {  	_ =	swait.ge [sflag:s28], $0x80  }
0xbb: {  	[sflag:s28] =	ssyncset.done $0x0  }
0xbc: {  	[sflag:s28] =	ssyncadd.s32 $0xFFFFFF80  }
0xbd: {  	_ =	swait.ge [sflag:s28], $0x80  }
0xbe: {  	[sflag:s28] =	ssyncset.done $0x0  }
0xbf: {  	[sflag:s28] =	ssyncadd.s32 $0xFFFFFF80  }
0xc0: {  	_ =	swait.ge [sflag:s28], $0x80  }
0xc1: {  	[sflag:s28] =	ssyncset.done $0x0  }
0xc2: {  	[sflag:s28] =	ssyncadd.s32 $0xFFFFFF80  }
0xc3: {  	_ =	swait.ge [sflag:s28], $0x80  }
0xc4: {  	[sflag:s28] =	ssyncset.done $0x0  }
0xc5: {  	[sflag:s28] =	ssyncadd.s32 $0xFFFFFF80  }
0xc6: {  	_ =	swait.ge [sflag:s28], $0x80  }
0xc7: {  	[sflag:s28] =	ssyncset.done $0x0  }
0xc8: {  	s26 =	simm.s32 $0x0;
	[sflag:s28] =	ssyncadd.s32 $0xFFFFFF80  }
0xc9: {  	[tilespmem:s26], [sflag:$0x3] =	stream.linear.gather [hbm4b:s7+s26], $0xC400, $0x38;
	[tilespmem:$0x1B8E0] =	vst v63  }
0xca: {  	_ =	swait.ge [sflag:s11], $0xC400  }
0xcb: {  	[sflag:s11] =	ssyncset.done $0x0  }
0xcc: {  	s0 =	simm.s32 $0x12600;
	[sflag:s11] =	ssyncadd.s32 $0xFFFF3C00  }
0xcd: {  	[spmem:s2] =	stream.indirect.scatter.add.f32 [tilespmem:s0], [sflag:$0x2], $0x1, s13, s13, $0xb8;
	[tilespmem:$0x1B8E0] =	vst v63  }
0xce: {  	s29 =	simm.s32 $0x12680  }
0xcf: {  	[spmem:s2] =	stream.indirect.scatter.add.f32 [tilespmem:s29], [sflag:$0x2], $0x1, s14, s13, $0xb8;
	[tilespmem:$0x1B8E0] =	vst v63  }
0xd0: {  	s1 =	simm.s32 $0x12700  }
0xd1: {  	[spmem:s2] =	stream.indirect.scatter.add.f32 [tilespmem:s1], [sflag:$0x2], $0x1, s16, s13, $0xb8;
	[tilespmem:$0x1B8E0] =	vst v63  }
0xd2: {  	s15 =	simm.s32 $0x12780  }
0xd3: {  	[spmem:s2] =	stream.indirect.scatter.add.f32 [tilespmem:s15], [sflag:$0x2], $0x1, s18, s13, $0xb8;
	[tilespmem:$0x1B8E0] =	vst v63  }
0xd4: {  	s21 =	simm.s32 $0x12800  }
0xd5: {  	[spmem:s2] =	stream.indirect.scatter.add.f32 [tilespmem:s21], [sflag:$0x2], $0x1, s20, s13, $0xb8;
	[tilespmem:$0x1B8E0] =	vst v63  }
0xd6: {  	s23 =	simm.s32 $0x12880  }
0xd7: {  	[spmem:s2] =	stream.indirect.scatter.add.f32 [tilespmem:s23], [sflag:$0x2], $0x1, s22, s13, $0xb8;
	[tilespmem:$0x1B8E0] =	vst v63  }
0xd8: {  	_ = 	snop  }
0xd9: {  	[spmem:s2] =	stream.indirect.scatter.add.f32 [tilespmem:s17], [sflag:$0x2], $0x1, s25, s13, $0xb8;
	[tilespmem:$0x1B8E0] =	vst v63  }
0xda: {  	s26 =	simm.s32 $0x12980;
	s29 =	simm.s32 $0x780  }
0xdb: {  	[spmem:s2] =	stream.indirect.scatter.add.f32 [tilespmem:s26], [sflag:$0x2], $0x1, s29, s13, $0xb8;
	[tilespmem:$0x1B8E0] =	vst v63  }
0xdc: {  	s0 =	simm.s32 $0x12A00;
	s15 =	simm.s32 $0x880  }
0xdd: {  	[spmem:s2] =	stream.indirect.scatter.add.f32 [tilespmem:s0], [sflag:$0x2], $0x1, s15, s13, $0xb8;
	[tilespmem:$0x1B8E0] =	vst v63  }
0xde: {  	s21 =	simm.s32 $0x12A80;
	s23 =	simm.s32 $0x980  }
0xdf: {  	[spmem:s2] =	stream.indirect.scatter.add.f32 [tilespmem:s21], [sflag:$0x2], $0x1, s23, s13, $0xb8;
	[tilespmem:$0x1B8E0] =	vst v63  }
0xe0: {  	s26 =	simm.s32 $0x12B00;
	s29 =	simm.s32 $0xA80  }
0xe1: {  	[spmem:s2] =	stream.indirect.scatter.add.f32 [tilespmem:s26], [sflag:$0x2], $0x1, s29, s13, $0xb8;
	[tilespmem:$0x1B8E0] =	vst v63  }
0xe2: {  	s0 =	simm.s32 $0x12B80;
	s15 =	simm.s32 $0xB80  }
0xe3: {  	[spmem:s2] =	stream.indirect.scatter.add.f32 [tilespmem:s0], [sflag:$0x2], $0x1, s15, s13, $0xb8;
	[tilespmem:$0x1B8E0] =	vst v63  }
0xe4: {  	s21 =	simm.s32 $0x12C00;
	s23 =	simm.s32 $0xC80  }
0xe5: {  	[spmem:s2] =	stream.indirect.scatter.add.f32 [tilespmem:s21], [sflag:$0x2], $0x1, s23, s13, $0xb8;
	[tilespmem:$0x1B8E0] =	vst v63  }
0xe6: {  	s26 =	simm.s32 $0x12C80;
	s29 =	simm.s32 $0xD80  }
0xe7: {  	[spmem:s2] =	stream.indirect.scatter.add.f32 [tilespmem:s26], [sflag:$0x2], $0x1, s29, s13, $0xb8;
	[tilespmem:$0x1B8E0] =	vst v63  }
0xe8: {  	_ =	swait.ge [sflag:s28], $0x80  }
0xe9: {  	[sflag:s28] =	ssyncset.done $0x0  }
0xea: {  	[sflag:s28] =	ssyncadd.s32 $0xFFFFFF80  }
0xeb: {  	_ =	swait.ge [sflag:s28], $0x80  }
0xec: {  	[sflag:s28] =	ssyncset.done $0x0  }
0xed: {  	[sflag:s28] =	ssyncadd.s32 $0xFFFFFF80  }
0xee: {  	_ =	swait.ge [sflag:s28], $0x80  }
0xef: {  	[sflag:s28] =	ssyncset.done $0x0  }
0xf0: {  	[sflag:s28] =	ssyncadd.s32 $0xFFFFFF80  }
0xf1: {  	_ =	swait.ge [sflag:s28], $0x80  }
0xf2: {  	[sflag:s28] =	ssyncset.done $0x0  }
0xf3: {  	[sflag:s28] =	ssyncadd.s32 $0xFFFFFF80  }
0xf4: {  	_ =	swait.ge [sflag:s28], $0x80  }
0xf5: {  	[sflag:s28] =	ssyncset.done $0x0  }
0xf6: {  	[sflag:s28] =	ssyncadd.s32 $0xFFFFFF80  }
0xf7: {  	_ =	swait.ge [sflag:s28], $0x80  }
0xf8: {  	[sflag:s28] =	ssyncset.done $0x0  }
0xf9: {  	s30 =	simm.s32 $0x3800;
	[sflag:s28] =	ssyncadd.s32 $0xFFFFFF80  }
0xfa: {  	s31 =	simm.s32 $0x700;
	s21 =	simm.s32 $0x13000;
	_ =	swait.ge [sflag:s28], $0x80  }
0xfb: {  	s23 =	simm.s32 $0x13380;
	s26 =	simm.s32 $0x12D00;
	[sflag:s28] =	ssyncset.done $0x0  }
.LBB2_6:
0xfc: {  	s0 =	sadd.s32 $0xFFFFFD00, s23  }
0xfd: {  	s1 =	sadd.s32 $0x780, s31;
	[sflag:s28] =	ssyncadd.s32 $0xFFFFFF80;
	s29 =	smov.u32 s30  }
0xfe: {  	[spmem:s2] =	stream.indirect.scatter.add.f32 [tilespmem:s26], [sflag:$0x2], $0x1, s1, s13, $0xb8;
	[tilespmem:$0x1B8E0] =	vst v63  }
0xff: {  	s15 =	sadd.s32 $0x880, s31;
	s1 =	sadd.s32 $0x1C00, s30;
	s26 =	sadd.s32 $0xFFFFFD80, s21  }
0x100: {  	[spmem:s2] =	stream.indirect.scatter.add.f32 [tilespmem:s26], [sflag:$0x2], $0x1, s15, s13, $0xb8;
	[tilespmem:$0x1B8E0] =	vst v63  }
0x101: {  	p3 =	sne.s32 s30, $0x2D800;
	s15 =	sadd.s32 $0xFFFFFE00, s21;
	s26 =	sadd.s32 $0x980, s31  }
0x102: {  	[spmem:s2] =	stream.indirect.scatter.add.f32 [tilespmem:s15], [sflag:$0x2], $0x1, s26, s13, $0xb8;
	[tilespmem:$0x1B8E0] =	vst v63  }
0x103: {  	s30 =	sadd.s32 $0xA80, s31;
	s15 =	sadd.s32 $0xFFFFFE80, s21;
	s26 =	smov.u32 s0  }
0x104: {  	[spmem:s2] =	stream.indirect.scatter.add.f32 [tilespmem:s15], [sflag:$0x2], $0x1, s30, s13, $0xb8;
	[tilespmem:$0x1B8E0] =	vst v63  }
0x105: {  	s0 =	sadd.s32 $0xFFFFFF00, s21;
	s15 =	sadd.s32 $0xB80, s31  }
0x106: {  	[spmem:s2] =	stream.indirect.scatter.add.f32 [tilespmem:s0], [sflag:$0x2], $0x1, s15, s13, $0xb8;
	[tilespmem:$0x1B8E0] =	vst v63  }
0x107: {  	s0 =	sadd.s32 $0xFFFFFF80, s21;
	s15 =	sadd.s32 $0xC80, s31  }
0x108: {  	[spmem:s2] =	stream.indirect.scatter.add.f32 [tilespmem:s0], [sflag:$0x2], $0x1, s15, s13, $0xb8;
	[tilespmem:$0x1B8E0] =	vst v63  }
0x109: {  	s0 =	sadd.s32 $0xD80, s31  }
0x10a: {  	[spmem:s2] =	stream.indirect.scatter.add.f32 [tilespmem:s21], [sflag:$0x2], $0x1, s0, s13, $0xb8;
	[tilespmem:$0x1B8E0] =	vst v63  }
0x10b: {  	s21 =	smov.u32 s23;
	_ =	swait.ge [sflag:s28], $0x80  }
0x10c: {  	[sflag:s28] =	ssyncset.done $0x0  }
0x10d: {  	[sflag:s28] =	ssyncadd.s32 $0xFFFFFF80  }
0x10e: {  	_ =	swait.ge [sflag:s28], $0x80  }
0x10f: {  	[sflag:s28] =	ssyncset.done $0x0  }
0x110: {  	[sflag:s28] =	ssyncadd.s32 $0xFFFFFF80  }
0x111: {  	_ =	swait.ge [sflag:s28], $0x80  }
0x112: {  	[sflag:s28] =	ssyncset.done $0x0  }
0x113: {  	[sflag:s28] =	ssyncadd.s32 $0xFFFFFF80  }
0x114: {  	_ =	swait.ge [sflag:s28], $0x80  }
0x115: {  	[sflag:s28] =	ssyncset.done $0x0  }
0x116: {  	[sflag:s28] =	ssyncadd.s32 $0xFFFFFF80  }
0x117: {  	_ =	swait.ge [sflag:s28], $0x80  }
0x118: {  	[sflag:s28] =	ssyncset.done $0x0  }
0x119: {  	[sflag:s28] =	ssyncadd.s32 $0xFFFFFF80  }
.Ltmp2:
0x11a: {  	_ =	swait.ge [sflag:s28], $0x80;
	(pc) =	sbr.rel @p3 .LBB2_6-.Ltmp2, $4  }
0x11b: {  	[sflag:s28] =	ssyncset.done $0x0  }
0x11c: {  	[sflag:s28] =	ssyncadd.s32 $0xFFFFFF80  }
0x11d: {  	s30 =	smov.u32 s1;
	_ =	swait.ge [sflag:s28], $0x80  }
0x11e: {  	s31 =	sshra.s32 s29, $0x2;
	s23 =	sadd.s32 $0x380, s23;
	[sflag:s28] =	ssyncset.done $0x0  }
0x11f: {  	s0 =	sadd.s32 $0x780, s31;
	[sflag:s28] =	ssyncadd.s32 $0xFFFFFF80  }
0x120: {  	[spmem:s2] =	stream.indirect.scatter.add.f32 [tilespmem:s26], [sflag:$0x2], $0x1, s0, s13, $0xb8;
	[tilespmem:$0x1B8E0] =	vst v63  }
0x121: {  	s1 =	sadd.s32 $0x880, s31;
	s26 =	sadd.s32 $0xFFFFFD80, s21  }
0x122: {  	[spmem:s2] =	stream.indirect.scatter.add.f32 [tilespmem:s26], [sflag:$0x2], $0x1, s1, s13, $0xb8;
	[tilespmem:$0x1B8E0] =	vst v63  }
0x123: {  	s29 =	sadd.s32 $0xFFFFFE00, s21;
	s30 =	sadd.s32 $0x980, s31  }
0x124: {  	[spmem:s2] =	stream.indirect.scatter.add.f32 [tilespmem:s29], [sflag:$0x2], $0x1, s30, s13, $0xb8;
	[tilespmem:$0x1B8E0] =	vst v63  }
0x125: {  	s15 =	sadd.s32 $0xA80, s31;
	s1 =	sadd.s32 $0xFFFFFE80, s21  }
0x126: {  	[spmem:s2] =	stream.indirect.scatter.add.f32 [tilespmem:s1], [sflag:$0x2], $0x1, s15, s13, $0xb8;
	[tilespmem:$0x1B8E0] =	vst v63  }
0x127: {  	s23 =	sadd.s32 $0xFFFFFF00, s21;
	s26 =	sadd.s32 $0xB80, s31  }
0x128: {  	[spmem:s2] =	stream.indirect.scatter.add.f32 [tilespmem:s23], [sflag:$0x2], $0x1, s26, s13, $0xb8;
	[tilespmem:$0x1B8E0] =	vst v63  }
0x129: {  	s29 =	sadd.s32 $0xFFFFFF80, s21;
	s30 =	sadd.s32 $0xC80, s31  }
0x12a: {  	[spmem:s2] =	stream.indirect.scatter.add.f32 [tilespmem:s29], [sflag:$0x2], $0x1, s30, s13, $0xb8;
	[tilespmem:$0x1B8E0] =	vst v63  }
0x12b: {  	s31 =	sadd.s32 $0xD80, s31  }
0x12c: {  	[spmem:s2] =	stream.indirect.scatter.add.f32 [tilespmem:s21], [sflag:$0x2], $0x1, s31, s13, $0xb8;
	[tilespmem:$0x1B8E0] =	vst v63  }
0x12d: {  	_ =	swait.ge [sflag:s28], $0x80  }
0x12e: {  	[sflag:s28] =	ssyncset.done $0x0  }
0x12f: {  	[sflag:s28] =	ssyncadd.s32 $0xFFFFFF80  }
0x130: {  	_ =	swait.ge [sflag:s28], $0x80  }
0x131: {  	[sflag:s28] =	ssyncset.done $0x0  }
0x132: {  	[sflag:s28] =	ssyncadd.s32 $0xFFFFFF80  }
0x133: {  	_ =	swait.ge [sflag:s28], $0x80  }
0x134: {  	[sflag:s28] =	ssyncset.done $0x0  }
0x135: {  	[sflag:s28] =	ssyncadd.s32 $0xFFFFFF80  }
0x136: {  	_ =	swait.ge [sflag:s28], $0x80  }
0x137: {  	[sflag:s28] =	ssyncset.done $0x0  }
0x138: {  	[sflag:s28] =	ssyncadd.s32 $0xFFFFFF80  }
0x139: {  	_ =	swait.ge [sflag:s28], $0x80  }
0x13a: {  	[sflag:s28] =	ssyncset.done $0x0  }
0x13b: {  	[sflag:s28] =	ssyncadd.s32 $0xFFFFFF80  }
0x13c: {  	_ =	swait.ge [sflag:s28], $0x80  }
0x13d: {  	[sflag:s28] =	ssyncset.done $0x0  }
0x13e: {  	[sflag:s28] =	ssyncadd.s32 $0xFFFFFF80  }
0x13f: {  	_ =	swait.ge [sflag:s28], $0x80  }
0x140: {  	[sflag:s28] =	ssyncset.done $0x0  }
0x141: {  	[sflag:s28] =	ssyncadd.s32 $0xFFFFFF80  }
0x142: {  	_ =	swait.ge [sflag:s28], $0x80  }
0x143: {  	[sflag:s28] =	ssyncset.done $0x0  }
0x144: {  	[sflag:s28] =	ssyncadd.s32 $0xFFFFFF80  }
0x145: {  	_ =	swait.ge [sflag:s28], $0x80  }
0x146: {  	[sflag:s28] =	ssyncset.done $0x0  }
0x147: {  	[sflag:s28] =	ssyncadd.s32 $0xFFFFFF80  }
0x148: {  	_ =	swait.ge [sflag:s28], $0x80  }
0x149: {  	[sflag:s28] =	ssyncset.done $0x0  }
0x14a: {  	[sflag:s28] =	ssyncadd.s32 $0xFFFFFF80  }
0x14b: {  	_ =	swait.ge [sflag:s28], $0x80  }
0x14c: {  	[sflag:s28] =	ssyncset.done $0x0  }
0x14d: {  	[sflag:s28] =	ssyncadd.s32 $0xFFFFFF80  }
0x14e: {  	_ =	swait.ge [sflag:s28], $0x80  }
0x14f: {  	[sflag:s28] =	ssyncset.done $0x0  }
0x150: {  	[sflag:s28] =	ssyncadd.s32 $0xFFFFFF80  }
0x151: {  	_ =	swait.ge [sflag:s28], $0x80  }
0x152: {  	[sflag:s28] =	ssyncset.done $0x0  }
0x153: {  	[sflag:s28] =	ssyncadd.s32 $0xFFFFFF80  }
0x154: {  	_ =	swait.ge [sflag:s28], $0x80  }
0x155: {  	[sflag:s28] =	ssyncset.done $0x0  }
0x156: {  	[sflag:s28] =	ssyncadd.s32 $0xFFFFFF80  }
0x157: {  	[bflag:$0x0] =	sbarrier.arrive $0xFFFF  }
0x158: {  	[tilespmem:s10], [sflag:$0x3] =	stream.linear.gather [spmem:s6], $0x1870, $0x38;
	[tilespmem:$0x1B8E0] =	vst v63  }
0x159: {  	s19 =	sadd.s32 $0x1, s19;
	_ =	swait.ge [sflag:s11], $0x1870  }
0x15a: {  	p3 =	sne.s32 s19, s8;
	[sflag:s11] =	ssyncset.done $0x0  }
.Ltmp3:
0x15b: {  	[sflag:s11] =	ssyncadd.s32 $0xFFFFE790;
	(pc) =	sbr.rel @p3 .LBB2_1-.Ltmp3, $4  }
0x15c: {  	[hbm4b:s24+s3] =	stream.linear.scatter [tilespmem:s10], [sflag:$0x3], $0x1870, $0x38;
	[tilespmem:$0x1B8E0] =	vst v63  }
0x15d: {  	_ =	swait.ge [sflag:s11], $0x1870  }
0x15e: {  	[sflag:s11] =	ssyncset.done $0x0  }
0x15f: {  	[sflag:s11] =	ssyncadd.s32 $0xFFFFE790  }
0x160: {  	_ =	sfence.sel $0x180000  }
0x161: {  	[bflag:$0x0] =	sbarrier.arrive $0xFFFF  }
0x162: {  	_ =	strace $0x90000047  }
0x163: {  	s0 =	stileid.u32;
	[bflag:$0x2] =	sbarrier.arrive $0xFFFF  }
0x164: {  	p0 =	sne.s32 s0, $0x0;
	s0 =	rddreg [dreg:$0x4]  }
0x165: {  	s0 =	sadd.s32 @!p0 $0x100000, s0  }
0x166: {  	[sflag:s0] =	ssyncadd.tile.s32 @!p0 $0x1;
	_ =	shalt  }
.Lfunc_end2:
_tile_overlayer_lowered:
.L_overlay_start_2:
0x167: {  	(tag) =	ssettag $0x2  }
0x168: {  	s0 =	rddreg [dreg:$0x0];
	s2 =	stileid.u32  }
0x169: {  	s1 =	rddreg [dreg:$0x1];
	p0 =	sne.s32 s2, $0x0  }
0x16a: {  	s3 =	rddreg [dreg:$0x2];
	[bflag:$0x3] =	sbarrier.arrive $0xFFFF;
	s2 =	simm.s32 @!p0 $0x1C03  }
0x16b: {  	[timem:s3], [sflag:s2] =	dma.local @!p0 [hbm:s0], s1  }
0x16c: {  	s0 =	simm.s32 @!p0 $0x3  }
0x16d: {  	_ =	swait.ge @!p0 [sflag:s0], s1  }
0x16e: {  	s1 =	ssub.s32 @!p0 $0x0, s1;
	[sflag:s0] =	ssyncset.done @!p0 $0x0  }
0x16f: {  	[sflag:s0] =	ssyncadd.s32 @!p0 s1  }
0x170: {  	[bflag:$0x3] =	sbarrier.arrive $0xFFFF  }
0x171: {  	_ =	shalt  }

</sc_bundles>
